<compile_context>
chip_gen: v7x
topology: tpu7x:2x2x1
jax: 0.10.2.dev20260603
libtpu: 0.0.44.dev20260713+nightly
codegen_flags: <defaults>
</compile_context>

<pallas_src>
import functools

import jax
import jax.numpy as jnp
from jax import lax
from jax.experimental import pallas as pl
from jax.experimental.pallas import tpu as pltpu
from jax.experimental.pallas import tpu_sc as plsc

_B = 4096
_HW = 16384
_NT = 16
_CHUNK = _B // _NT
_L = 16
_HALF = _CHUNK // 2
_ROWS = 2 * 32 * _HW // _L
_INV_N = 1.0 / _B


@functools.partial(
    pl.kernel,
    mesh=plsc.VectorSubcoreMesh(core_axis_name="c", subcore_axis_name="s",
                                num_cores=1),
    out_type=jax.ShapeDtypeStruct((1,), jnp.float32),
    compiler_params=pltpu.CompilerParams(needs_layout_passes=False,
                                         use_tc_tiling_on_sc=False),
    scratch_types=[
        pltpu.VMEM((_CHUNK,), jnp.int32),
        pltpu.VMEM((2, _HALF), jnp.int32),
        pltpu.VMEM((2, _HALF), jnp.int32),
        pltpu.VMEM((_CHUNK,), jnp.int32),
        pltpu.VMEM((2, _HALF, _L), jnp.float32),
        pltpu.VMEM((2, _HALF, _L), jnp.float32),
        pltpu.VMEM((2, 2, _HALF), jnp.float32),
        pltpu.VMEM((_L,), jnp.float32),
        pltpu.VMEM((_NT, _L), jnp.float32),
        pltpu.VMEM((_L,), jnp.float32),
        pltpu.VMEM_SHARED((_NT, _L), jnp.float32),
        pltpu.SemaphoreType.DMA,
        pltpu.SemaphoreType.DMA,
        pltpu.SemaphoreType.DMA,
        pltpu.SemaphoreType.DMA,
    ],
)
def _sc_gather_l1(table_hbm, ind_hbm, tgt_hbm, out_hbm,
                  ind_v, row0_v, row1_v, lane_v, g0_v, g1_v, tb_v,
                  part_v, all_v, res_v, shared, sem0, sem1, sem2, sem3):
    wid = lax.axis_index("s")
    base = wid * _CHUNK

    i_cps = [pltpu.async_copy(ind_hbm.at[pl.ds(base + h * _HALF, _HALF)],
                              ind_v.at[pl.ds(h * _HALF, _HALF)], sem3)
             for h in range(2)]
    t_cps = [pltpu.async_copy(tgt_hbm.at[wid], tb_v, sem1)]

    def _rows(j, carry):
        sl = pl.ds(j * _L, _L)
        iv = ind_v[sl]
        f0 = iv + iv - jnp.bitwise_and(iv, jnp.int32(_HW - 1))
        r0 = lax.shift_right_logical(f0, 4)
        h = j // (_HALF // _L)
        hsl = pl.ds((j % (_HALF // _L)) * _L, _L)
        row0_v[h, hsl] = r0
        row1_v[h, hsl] = r0 + jnp.int32(_HW // _L)
        lane_v[sl] = jnp.bitwise_and(f0, jnp.int32(_L - 1))
        return carry

    iota = lax.iota(jnp.int32, _L)

    def _l1(j, acc):
        h = j // (_HALF // _L)
        jj = j % (_HALF // _L)
        k = iota + jj * _L
        lane = lane_v[pl.ds(j * _L, _L)]
        hsl = pl.ds(jj * _L, _L)
        v0 = plsc.load_gather(g0_v.at[h], [k, lane])
        v1 = plsc.load_gather(g1_v.at[h], [k, lane])
        return acc + jnp.abs(v0 - tb_v[h, 0, hsl]) + jnp.abs(v1 - tb_v[h, 1, hsl])

    nj = _HALF // _L
    g_sems = (sem0, sem2)
    g_cps = []
    for h in range(2):
        i_cps[h].wait()
        lax.fori_loop(h * nj, (h + 1) * nj, _rows, 0, unroll=False)
        g_cps.append(pltpu.async_copy(table_hbm.at[row0_v.at[h]],
                                      g0_v.at[h], g_sems[h]))
        g_cps.append(pltpu.async_copy(table_hbm.at[row1_v.at[h]],
                                      g1_v.at[h], g_sems[h]))
    for cp in t_cps:
        cp.wait()

    acc = jnp.zeros((_L,), jnp.float32)
    for h in range(2):
        g_cps[2 * h].wait()
        g_cps[2 * h + 1].wait()
        acc = lax.fori_loop(h * nj, (h + 1) * nj, _l1, acc, unroll=False)

    part_v[...] = acc
    pltpu.sync_copy(part_v, shared.at[wid])
    plsc.subcore_barrier()

    @pl.when(wid == 0)
    def _final():
        pltpu.sync_copy(shared, all_v)

        def _sum(i, tot):
            return tot + all_v[i, :]

        tot = lax.fori_loop(0, _NT, _sum, jnp.zeros((_L,), jnp.float32),
                            unroll=False)
        s = jnp.sum(tot) * jnp.float32(_INV_N)
        res_v[...] = jnp.full((_L,), s, jnp.float32)
        pltpu.sync_copy(res_v.at[pl.ds(0, 1)], out_hbm)


def kernel(output, mask, ind, target):
    del mask
    table = output.reshape(_ROWS, _L)
    ind32 = ind.astype(jnp.int32)
    tview = jnp.transpose(target.reshape(32, 128, 2), (0, 2, 1)).reshape(16, 2, 2, 128)
    loss = _sc_gather_l1(table, ind32, tview)
    return loss.reshape(())

# --- scband reference (transcript-rebuilt; emitter-appended) ---
"""Pipeline reference for scband-reg-l1-loss-22411139351098 (READ-ONLY COPY).

The authoritative reference and input builder live on the scoring server;
editing this copy changes nothing except your own understanding.
"""

import jax, jax.numpy as jnp
import numpy as np


def setup_inputs(seed: int = 0) -> dict:
    key = jax.random.key(seed)
    k1, k2, k3 = jax.random.split(key, 3)
    output = jax.random.normal(k1, (32, 2, 128, 128), dtype=jnp.float32)
    mask = jnp.ones((32, 128, 128), dtype=jnp.bool_)
    ind = jax.random.randint(k2, (4096,), 0, 524288, dtype=jnp.int64)
    target = jax.random.normal(k3, (4096, 2), dtype=jnp.float32)
    return {"output": output, "mask": mask, "ind": ind, "target": target}


def reference(output, mask, ind, target):
    # pred: [B, C, H, W] -> [B, H, W, C] -> [B*H*W, C]
    C = output.shape[1]
    pred = jnp.transpose(output, (0, 2, 3, 1)).reshape(-1, C)
    pred = jnp.take(pred, ind, axis=0)
    loss = jnp.sum(jnp.abs(pred - target))
    num_pos = target.shape[0]
    if num_pos > 0:
        loss = loss / num_pos
    else:
        loss = jnp.asarray(0.0, dtype=output.dtype)
    return loss

if __name__ == "__main__":
    import jax
    _d = setup_inputs()
    print(jax.jit(kernel)(*tuple(_d.values())))

</pallas_src>

<mosaic_0001>
#map = affine_map<(d0, d1) -> (0, 0)>
#map1 = affine_map<(d0, d1) -> (0)>
#map2 = affine_map<(d0, d1) -> (0, 0, 0, 0)>
module attributes {stable_mosaic.version = 14 : i64} {
  func.func @_sc_gather_l1(%arg0: i32, %arg1: i32, %arg2: memref<65536x16xf32, #tpu.memory_space<hbm>>, %arg3: memref<4096xi32, #tpu.memory_space<hbm>>, %arg4: memref<16x2x2x128xf32, #tpu.memory_space<hbm>>, %arg5: memref<1xf32, #tpu.memory_space<hbm>>, %arg6: memref<256xi32, #tpu.memory_space<vmem>>, %arg7: memref<2x128xi32, #tpu.memory_space<vmem>>, %arg8: memref<2x128xi32, #tpu.memory_space<vmem>>, %arg9: memref<256xi32, #tpu.memory_space<vmem>>, %arg10: memref<2x128x16xf32, #tpu.memory_space<vmem>>, %arg11: memref<2x128x16xf32, #tpu.memory_space<vmem>>, %arg12: memref<2x2x128xf32, #tpu.memory_space<vmem>>, %arg13: memref<16xf32, #tpu.memory_space<vmem>>, %arg14: memref<16x16xf32, #tpu.memory_space<vmem>>, %arg15: memref<16xf32, #tpu.memory_space<vmem>>, %arg16: memref<16x16xf32, #tpu.memory_space<vmem_shared>>, %arg17: memref<!tpu.dma_semaphore, #tpu.memory_space<semaphore_mem>>, %arg18: memref<!tpu.dma_semaphore, #tpu.memory_space<semaphore_mem>>, %arg19: memref<!tpu.dma_semaphore, #tpu.memory_space<semaphore_mem>>, %arg20: memref<!tpu.dma_semaphore, #tpu.memory_space<semaphore_mem>>) attributes {dimension_semantics = [#tpu.dimension_semantics<core_parallel>, #tpu.dimension_semantics<subcore_parallel>], iteration_bounds = array<i64: 1, 16>, scalar_prefetch = 0 : i64, scratch_operands = 15 : i64, tpu.core_type = #tpu.core_type<sc_vector_subcore>, window_params = [{transform_indices = #map}, {transform_indices = #map1}, {transform_indices = #map2}, {transform_indices = #map1}]} {
    %mul3A = arith.constant 256 : i32
    %mul3A_0 = arith.muli %arg1, %mul3A : i32
    %add3A = arith.constant 0 : i32
    %add3A_1 = arith.addi %mul3A_0, %add3A : i32
    %dma_start3A = arith.constant 0 : i32
    %dma_start3A_2 = tpu.memref_slice %arg6[%dma_start3A] : memref<256xi32, #tpu.memory_space<vmem>> -> memref<128xi32, #tpu.memory_space<vmem>>
    %dma_start3A_3 = tpu.memref_slice %arg3[%add3A_1] : memref<4096xi32, #tpu.memory_space<hbm>> -> memref<128xi32, #tpu.memory_space<hbm>>
    %dma_start3A_4 = arith.constant 0 : i32
    %dma_start3A_5 = tpu.memref_slice %arg6[%dma_start3A_4] : memref<256xi32, #tpu.memory_space<vmem>> -> memref<128xi32, #tpu.memory_space<vmem>>
    %dma_start3A_6 = tpu.memref_slice %arg3[%add3A_1] : memref<4096xi32, #tpu.memory_space<hbm>> -> memref<128xi32, #tpu.memory_space<hbm>>
    tpu.enqueue_dma source(%dma_start3A_6 : memref<128xi32, #tpu.memory_space<hbm>>) target(%dma_start3A_5 : memref<128xi32, #tpu.memory_space<vmem>>) target_semaphore(%arg20 : memref<!tpu.dma_semaphore, #tpu.memory_space<semaphore_mem>>)
    %add3A_7 = arith.constant 128 : i32
    %add3A_8 = arith.addi %mul3A_0, %add3A_7 : i32
    %dma_start3A_9 = arith.constant 128 : i32
    %dma_start3A_10 = tpu.memref_slice %arg6[%dma_start3A_9] : memref<256xi32, #tpu.memory_space<vmem>> -> memref<128xi32, #tpu.memory_space<vmem>>
    %dma_start3A_11 = tpu.memref_slice %arg3[%add3A_8] : memref<4096xi32, #tpu.memory_space<hbm>> -> memref<128xi32, #tpu.memory_space<hbm>>
    %dma_start3A_12 = arith.constant 128 : i32
    %dma_start3A_13 = tpu.memref_slice %arg6[%dma_start3A_12] : memref<256xi32, #tpu.memory_space<vmem>> -> memref<128xi32, #tpu.memory_space<vmem>>
    %dma_start3A_14 = tpu.memref_slice %arg3[%add3A_8] : memref<4096xi32, #tpu.memory_space<hbm>> -> memref<128xi32, #tpu.memory_space<hbm>>
    tpu.enqueue_dma source(%dma_start3A_14 : memref<128xi32, #tpu.memory_space<hbm>>) target(%dma_start3A_13 : memref<128xi32, #tpu.memory_space<vmem>>) target_semaphore(%arg20 : memref<!tpu.dma_semaphore, #tpu.memory_space<semaphore_mem>>)
    %dma_start3A_15 = arith.constant 0 : i32
    %dma_start3A_16 = arith.constant 0 : i32
    %dma_start3A_17 = arith.constant 0 : i32
    %dma_start3A_18 = tpu.memref_slice %arg4[%arg1, %dma_start3A_15, %dma_start3A_16, %dma_start3A_17] : memref<16x2x2x128xf32, #tpu.memory_space<hbm>> -> memref<1x2x2x128xf32, #tpu.memory_space<hbm>>
    %dma_start3A_19 = tpu.memref_squeeze %dma_start3A_18 : memref<1x2x2x128xf32, #tpu.memory_space<hbm>> -> memref<2x2x128xf32, #tpu.memory_space<hbm>>
    %dma_start3A_20 = arith.constant 0 : i32
    %dma_start3A_21 = arith.constant 0 : i32
    %dma_start3A_22 = arith.constant 0 : i32
    %dma_start3A_23 = tpu.memref_slice %arg4[%arg1, %dma_start3A_20, %dma_start3A_21, %dma_start3A_22] : memref<16x2x2x128xf32, #tpu.memory_space<hbm>> -> memref<1x2x2x128xf32, #tpu.memory_space<hbm>>
    %dma_start3A_24 = tpu.memref_squeeze %dma_start3A_23 : memref<1x2x2x128xf32, #tpu.memory_space<hbm>> -> memref<2x2x128xf32, #tpu.memory_space<hbm>>
    tpu.enqueue_dma source(%dma_start3A_24 : memref<2x2x128xf32, #tpu.memory_space<hbm>>) target(%arg12 : memref<2x2x128xf32, #tpu.memory_space<vmem>>) target_semaphore(%arg18 : memref<!tpu.dma_semaphore, #tpu.memory_space<semaphore_mem>>)
    %iota3A = tpu.iota {dimensions = array<i32: 0>} : vector<16xi32>
    %dma_wait3A = arith.constant 0 : i32
    %dma_wait3A_25 = tpu.memref_slice %arg6[%dma_wait3A] : memref<256xi32, #tpu.memory_space<vmem>> -> memref<128xi32, #tpu.memory_space<vmem>>
    %dma_wait3A_26 = tpu.memref_slice %arg3[%add3A_1] : memref<4096xi32, #tpu.memory_space<hbm>> -> memref<128xi32, #tpu.memory_space<hbm>>
    %dma_wait3A_27 = arith.constant 0 : i32
    %dma_wait3A_28 = tpu.memref_slice %arg6[%dma_wait3A_27] : memref<256xi32, #tpu.memory_space<vmem>> -> memref<128xi32, #tpu.memory_space<vmem>>
    %dma_wait3A_29 = tpu.memref_slice %arg3[%add3A_1] : memref<4096xi32, #tpu.memory_space<hbm>> -> memref<128xi32, #tpu.memory_space<hbm>>
    tpu.wait_dma2 semaphore(%arg20 : memref<!tpu.dma_semaphore, #tpu.memory_space<semaphore_mem>>) src(%dma_wait3A_29 : memref<128xi32, #tpu.memory_space<hbm>>) dst(%dma_wait3A_28 : memref<128xi32, #tpu.memory_space<vmem>>)
    %scan3A = arith.constant 0 : i32
    %scan3A_30 = arith.constant 0 : i32
    %scan3A_31 = arith.constant 8 : i32
    %scan3A_32 = arith.addi %scan3A_30, %scan3A_31 : i32
    %scan3A_33 = arith.constant 1 : i32
    scf.for %scan3A_169 = %scan3A_30 to %scan3A_32 step %scan3A_33  : i32 {
      %mul3A_170 = arith.constant 16 : i32
      %mul3A_171 = arith.muli %scan3A_169, %mul3A_170 : i32
      %get3A = arith.index_cast %mul3A_171 : i32 to index
      %get3A_172 = tpu.vector_load %arg6[%get3A] {strides = array<i32>} : memref<256xi32, #tpu.memory_space<vmem>>, vector<16xi32>,
      %add3A_173 = arith.addi %get3A_172, %get3A_172 : vector<16xi32>
      %and3A = arith.constant 16383 : i32
      %and3A_174 = vector.broadcast %and3A : i32 to vector<16xi32>
      %and3A_175 = arith.andi %get3A_172, %and3A_174 : vector<16xi32>
      %sub3A = arith.subi %add3A_173, %and3A_175 : vector<16xi32>
      %shift_right_logical3A = arith.constant 4 : i32
      %shift_right_logical3A_176 = vector.broadcast %shift_right_logical3A : i32 to vector<16xi32>
      %shift_right_logical3A_177 = arith.shrui %sub3A, %shift_right_logical3A_176 : vector<16xi32>
      %jit3A = arith.constant 8 : i32
      %div3A = arith.divsi %scan3A_169, %jit3A : i32
      %sign3A = arith.constant 0 : i32
      %sign3A_178 = arith.cmpi sgt, %scan3A_169, %sign3A : i32
      %sign3A_179 = arith.extui %sign3A_178 : i1 to i32
      %sign3A_180 = arith.constant 0 : i32
      %sign3A_181 = arith.cmpi slt, %scan3A_169, %sign3A_180 : i32
      %sign3A_182 = arith.extui %sign3A_181 : i1 to i32
      %sign3A_183 = arith.subi %sign3A_179, %sign3A_182 : i32
      %sign3A_184 = arith.constant 0 : i32
      %sign3A_185 = arith.cmpi sgt, %jit3A, %sign3A_184 : i32
      %sign3A_186 = arith.extui %sign3A_185 : i1 to i32
      %sign3A_187 = arith.constant 0 : i32
      %sign3A_188 = arith.cmpi slt, %jit3A, %sign3A_187 : i32
      %sign3A_189 = arith.extui %sign3A_188 : i1 to i32
      %sign3A_190 = arith.subi %sign3A_186, %sign3A_189 : i32
      %ne3A = arith.cmpi ne, %sign3A_183, %sign3A_190 : i32
      %rem3A = arith.remsi %scan3A_169, %jit3A : i32
      %ne3A_191 = arith.constant 0 : i32
      %ne3A_192 = arith.cmpi ne, %rem3A, %ne3A_191 : i32
      %and3A_193 = arith.andi %ne3A, %ne3A_192 : i1
      %sub3A_194 = arith.constant 1 : i32
      %sub3A_195 = arith.subi %div3A, %sub3A_194 : i32
      %select_n3A = arith.select %and3A_193, %sub3A_195, %div3A : i32
      %jit3A_196 = arith.constant 8 : i32
      %eq3A_197 = arith.constant 0 : i32
      %eq3A_198 = arith.cmpi eq, %jit3A_196, %eq3A_197 : i32
      %jit3A_199 = arith.constant 1 : i32
      %select_n3A_200 = arith.select %eq3A_198, %jit3A_199, %jit3A_196 : i32
      %rem3A_201 = arith.remsi %scan3A_169, %select_n3A_200 : i32
      %ne3A_202 = arith.constant 0 : i32
      %ne3A_203 = arith.cmpi ne, %rem3A_201, %ne3A_202 : i32
      %lt3A = arith.constant 0 : i32
      %lt3A_204 = arith.cmpi slt, %rem3A_201, %lt3A : i32
      %lt3A_205 = arith.constant 0 : i32
      %lt3A_206 = arith.cmpi slt, %select_n3A_200, %lt3A_205 : i32
      %ne3A_207 = arith.xori %lt3A_204, %lt3A_206 : i1
      %and3A_208 = arith.andi %ne3A_207, %ne3A_203 : i1
      %add3A_209 = arith.addi %rem3A_201, %select_n3A_200 : i32
      %select_n3A_210 = arith.select %and3A_208, %add3A_209, %rem3A_201 : i32
      %mul3A_211 = arith.constant 16 : i32
      %mul3A_212 = arith.muli %select_n3A_210, %mul3A_211 : i32
      %swap3A_213 = arith.index_cast %select_n3A : i32 to index
      %swap3A_214 = arith.index_cast %mul3A_212 : i32 to index
      %swap3A_215 = tpu.vector_load %arg7[%swap3A_213, %swap3A_214] {strides = array<i32>} : memref<2x128xi32, #tpu.memory_space<vmem>>, vector<16xi32>,
      tpu.vector_store %arg7[%swap3A_213, %swap3A_214], %shift_right_logical3A_177 {strides = array<i32>} : memref<2x128xi32, #tpu.memory_space<vmem>>, vector<16xi32>,
      %add3A_216 = arith.constant 1024 : i32
      %add3A_217 = vector.broadcast %add3A_216 : i32 to vector<16xi32>
      %add3A_218 = arith.addi %shift_right_logical3A_177, %add3A_217 : vector<16xi32>
      %swap3A_219 = arith.index_cast %select_n3A : i32 to index
      %swap3A_220 = arith.index_cast %mul3A_212 : i32 to index
      %swap3A_221 = tpu.vector_load %arg8[%swap3A_219, %swap3A_220] {strides = array<i32>} : memref<2x128xi32, #tpu.memory_space<vmem>>, vector<16xi32>,
      tpu.vector_store %arg8[%swap3A_219, %swap3A_220], %add3A_218 {strides = array<i32>} : memref<2x128xi32, #tpu.memory_space<vmem>>, vector<16xi32>,
      %and3A_222 = arith.constant 15 : i32
      %and3A_223 = vector.broadcast %and3A_222 : i32 to vector<16xi32>
      %and3A_224 = arith.andi %sub3A, %and3A_223 : vector<16xi32>
      %swap3A_225 = arith.index_cast %mul3A_171 : i32 to index
      %swap3A_226 = tpu.vector_load %arg9[%swap3A_225] {strides = array<i32>} : memref<256xi32, #tpu.memory_space<vmem>>, vector<16xi32>,
      tpu.vector_store %arg9[%swap3A_225], %and3A_224 {strides = array<i32>} : memref<256xi32, #tpu.memory_space<vmem>>, vector<16xi32>,
    }
    %scan3A_34 = arith.constant 8 : i32
    %dma_start3A_35 = arith.constant 0 : i32
    %dma_start3A_36 = arith.constant 0 : i32
    %dma_start3A_37 = arith.constant 0 : i32
    %dma_start3A_38 = arith.constant 0 : i32
    %dma_start3A_39 = tpu.memref_slice %arg10[%dma_start3A_36, %dma_start3A_37, %dma_start3A_38] : memref<2x128x16xf32, #tpu.memory_space<vmem>> -> memref<1x128x16xf32, #tpu.memory_space<vmem>>
    %dma_start3A_40 = tpu.memref_squeeze %dma_start3A_39 : memref<1x128x16xf32, #tpu.memory_space<vmem>> -> memref<128x16xf32, #tpu.memory_space<vmem>>
    %dma_start3A_41 = arith.constant 0 : i32
    %dma_start3A_42 = tpu.memref_slice %arg7[%dma_start3A_35, %dma_start3A_41] : memref<2x128xi32, #tpu.memory_space<vmem>> -> memref<1x128xi32, #tpu.memory_space<vmem>>
    %dma_start3A_43 = tpu.memref_squeeze %dma_start3A_42 : memref<1x128xi32, #tpu.memory_space<vmem>> -> memref<128xi32, #tpu.memory_space<vmem>>
    %dma_start3A_44 = arith.constant 0 : i32
    %dma_start3A_45 = arith.constant 0 : i32
    %dma_start3A_46 = tpu.memref_slice %arg2[%dma_start3A_44, %dma_start3A_45] : memref<65536x16xf32, #tpu.memory_space<hbm>> -> memref<65536x16xf32, #tpu.memory_space<hbm>>
    tpu.enqueue_indirect_dma source(%dma_start3A_46 : memref<65536x16xf32, #tpu.memory_space<hbm>>) target(%dma_start3A_40 : memref<128x16xf32, #tpu.memory_space<vmem>>) offsets(%dma_start3A_43 : memref<128xi32, #tpu.memory_space<vmem>>) semaphore(%arg17 : memref<!tpu.dma_semaphore, #tpu.memory_space<semaphore_mem>>)
    %dma_start3A_47 = arith.constant 0 : i32
    %dma_start3A_48 = arith.constant 0 : i32
    %dma_start3A_49 = arith.constant 0 : i32
    %dma_start3A_50 = arith.constant 0 : i32
    %dma_start3A_51 = tpu.memref_slice %arg11[%dma_start3A_48, %dma_start3A_49, %dma_start3A_50] : memref<2x128x16xf32, #tpu.memory_space<vmem>> -> memref<1x128x16xf32, #tpu.memory_space<vmem>>
    %dma_start3A_52 = tpu.memref_squeeze %dma_start3A_51 : memref<1x128x16xf32, #tpu.memory_space<vmem>> -> memref<128x16xf32, #tpu.memory_space<vmem>>
    %dma_start3A_53 = arith.constant 0 : i32
    %dma_start3A_54 = tpu.memref_slice %arg8[%dma_start3A_47, %dma_start3A_53] : memref<2x128xi32, #tpu.memory_space<vmem>> -> memref<1x128xi32, #tpu.memory_space<vmem>>
    %dma_start3A_55 = tpu.memref_squeeze %dma_start3A_54 : memref<1x128xi32, #tpu.memory_space<vmem>> -> memref<128xi32, #tpu.memory_space<vmem>>
    %dma_start3A_56 = arith.constant 0 : i32
    %dma_start3A_57 = arith.constant 0 : i32
    %dma_start3A_58 = tpu.memref_slice %arg2[%dma_start3A_56, %dma_start3A_57] : memref<65536x16xf32, #tpu.memory_space<hbm>> -> memref<65536x16xf32, #tpu.memory_space<hbm>>
    tpu.enqueue_indirect_dma source(%dma_start3A_58 : memref<65536x16xf32, #tpu.memory_space<hbm>>) target(%dma_start3A_52 : memref<128x16xf32, #tpu.memory_space<vmem>>) offsets(%dma_start3A_55 : memref<128xi32, #tpu.memory_space<vmem>>) semaphore(%arg17 : memref<!tpu.dma_semaphore, #tpu.memory_space<semaphore_mem>>)
    %dma_wait3A_59 = arith.constant 128 : i32
    %dma_wait3A_60 = tpu.memref_slice %arg6[%dma_wait3A_59] : memref<256xi32, #tpu.memory_space<vmem>> -> memref<128xi32, #tpu.memory_space<vmem>>
    %dma_wait3A_61 = tpu.memref_slice %arg3[%add3A_8] : memref<4096xi32, #tpu.memory_space<hbm>> -> memref<128xi32, #tpu.memory_space<hbm>>
    %dma_wait3A_62 = arith.constant 128 : i32
    %dma_wait3A_63 = tpu.memref_slice %arg6[%dma_wait3A_62] : memref<256xi32, #tpu.memory_space<vmem>> -> memref<128xi32, #tpu.memory_space<vmem>>
    %dma_wait3A_64 = tpu.memref_slice %arg3[%add3A_8] : memref<4096xi32, #tpu.memory_space<hbm>> -> memref<128xi32, #tpu.memory_space<hbm>>
    tpu.wait_dma2 semaphore(%arg20 : memref<!tpu.dma_semaphore, #tpu.memory_space<semaphore_mem>>) src(%dma_wait3A_64 : memref<128xi32, #tpu.memory_space<hbm>>) dst(%dma_wait3A_63 : memref<128xi32, #tpu.memory_space<vmem>>)
    %scan3A_65 = arith.constant 0 : i32
    %scan3A_66 = arith.constant 8 : i32
    %scan3A_67 = arith.constant 8 : i32
    %scan3A_68 = arith.addi %scan3A_66, %scan3A_67 : i32
    %scan3A_69 = arith.constant 1 : i32
    scf.for %scan3A_169 = %scan3A_66 to %scan3A_68 step %scan3A_69  : i32 {
      %mul3A_170 = arith.constant 16 : i32
      %mul3A_171 = arith.muli %scan3A_169, %mul3A_170 : i32
      %get3A = arith.index_cast %mul3A_171 : i32 to index
      %get3A_172 = tpu.vector_load %arg6[%get3A] {strides = array<i32>} : memref<256xi32, #tpu.memory_space<vmem>>, vector<16xi32>,
      %add3A_173 = arith.addi %get3A_172, %get3A_172 : vector<16xi32>
      %and3A = arith.constant 16383 : i32
      %and3A_174 = vector.broadcast %and3A : i32 to vector<16xi32>
      %and3A_175 = arith.andi %get3A_172, %and3A_174 : vector<16xi32>
      %sub3A = arith.subi %add3A_173, %and3A_175 : vector<16xi32>
      %shift_right_logical3A = arith.constant 4 : i32
      %shift_right_logical3A_176 = vector.broadcast %shift_right_logical3A : i32 to vector<16xi32>
      %shift_right_logical3A_177 = arith.shrui %sub3A, %shift_right_logical3A_176 : vector<16xi32>
      %jit3A = arith.constant 8 : i32
      %div3A = arith.divsi %scan3A_169, %jit3A : i32
      %sign3A = arith.constant 0 : i32
      %sign3A_178 = arith.cmpi sgt, %scan3A_169, %sign3A : i32
      %sign3A_179 = arith.extui %sign3A_178 : i1 to i32
      %sign3A_180 = arith.constant 0 : i32
      %sign3A_181 = arith.cmpi slt, %scan3A_169, %sign3A_180 : i32
      %sign3A_182 = arith.extui %sign3A_181 : i1 to i32
      %sign3A_183 = arith.subi %sign3A_179, %sign3A_182 : i32
      %sign3A_184 = arith.constant 0 : i32
      %sign3A_185 = arith.cmpi sgt, %jit3A, %sign3A_184 : i32
      %sign3A_186 = arith.extui %sign3A_185 : i1 to i32
      %sign3A_187 = arith.constant 0 : i32
      %sign3A_188 = arith.cmpi slt, %jit3A, %sign3A_187 : i32
      %sign3A_189 = arith.extui %sign3A_188 : i1 to i32
      %sign3A_190 = arith.subi %sign3A_186, %sign3A_189 : i32
      %ne3A = arith.cmpi ne, %sign3A_183, %sign3A_190 : i32
      %rem3A = arith.remsi %scan3A_169, %jit3A : i32
      %ne3A_191 = arith.constant 0 : i32
      %ne3A_192 = arith.cmpi ne, %rem3A, %ne3A_191 : i32
      %and3A_193 = arith.andi %ne3A, %ne3A_192 : i1
      %sub3A_194 = arith.constant 1 : i32
      %sub3A_195 = arith.subi %div3A, %sub3A_194 : i32
      %select_n3A = arith.select %and3A_193, %sub3A_195, %div3A : i32
      %jit3A_196 = arith.constant 8 : i32
      %eq3A_197 = arith.constant 0 : i32
      %eq3A_198 = arith.cmpi eq, %jit3A_196, %eq3A_197 : i32
      %jit3A_199 = arith.constant 1 : i32
      %select_n3A_200 = arith.select %eq3A_198, %jit3A_199, %jit3A_196 : i32
      %rem3A_201 = arith.remsi %scan3A_169, %select_n3A_200 : i32
      %ne3A_202 = arith.constant 0 : i32
      %ne3A_203 = arith.cmpi ne, %rem3A_201, %ne3A_202 : i32
      %lt3A = arith.constant 0 : i32
      %lt3A_204 = arith.cmpi slt, %rem3A_201, %lt3A : i32
      %lt3A_205 = arith.constant 0 : i32
      %lt3A_206 = arith.cmpi slt, %select_n3A_200, %lt3A_205 : i32
      %ne3A_207 = arith.xori %lt3A_204, %lt3A_206 : i1
      %and3A_208 = arith.andi %ne3A_207, %ne3A_203 : i1
      %add3A_209 = arith.addi %rem3A_201, %select_n3A_200 : i32
      %select_n3A_210 = arith.select %and3A_208, %add3A_209, %rem3A_201 : i32
      %mul3A_211 = arith.constant 16 : i32
      %mul3A_212 = arith.muli %select_n3A_210, %mul3A_211 : i32
      %swap3A_213 = arith.index_cast %select_n3A : i32 to index
      %swap3A_214 = arith.index_cast %mul3A_212 : i32 to index
      %swap3A_215 = tpu.vector_load %arg7[%swap3A_213, %swap3A_214] {strides = array<i32>} : memref<2x128xi32, #tpu.memory_space<vmem>>, vector<16xi32>,
      tpu.vector_store %arg7[%swap3A_213, %swap3A_214], %shift_right_logical3A_177 {strides = array<i32>} : memref<2x128xi32, #tpu.memory_space<vmem>>, vector<16xi32>,
      %add3A_216 = arith.constant 1024 : i32
      %add3A_217 = vector.broadcast %add3A_216 : i32 to vector<16xi32>
      %add3A_218 = arith.addi %shift_right_logical3A_177, %add3A_217 : vector<16xi32>
      %swap3A_219 = arith.index_cast %select_n3A : i32 to index
      %swap3A_220 = arith.index_cast %mul3A_212 : i32 to index
      %swap3A_221 = tpu.vector_load %arg8[%swap3A_219, %swap3A_220] {strides = array<i32>} : memref<2x128xi32, #tpu.memory_space<vmem>>, vector<16xi32>,
      tpu.vector_store %arg8[%swap3A_219, %swap3A_220], %add3A_218 {strides = array<i32>} : memref<2x128xi32, #tpu.memory_space<vmem>>, vector<16xi32>,
      %and3A_222 = arith.constant 15 : i32
      %and3A_223 = vector.broadcast %and3A_222 : i32 to vector<16xi32>
      %and3A_224 = arith.andi %sub3A, %and3A_223 : vector<16xi32>
      %swap3A_225 = arith.index_cast %mul3A_171 : i32 to index
      %swap3A_226 = tpu.vector_load %arg9[%swap3A_225] {strides = array<i32>} : memref<256xi32, #tpu.memory_space<vmem>>, vector<16xi32>,
      tpu.vector_store %arg9[%swap3A_225], %and3A_224 {strides = array<i32>} : memref<256xi32, #tpu.memory_space<vmem>>, vector<16xi32>,
    }
    %scan3A_70 = arith.constant 8 : i32
    %dma_start3A_71 = arith.constant 1 : i32
    %dma_start3A_72 = arith.constant 1 : i32
    %dma_start3A_73 = arith.constant 0 : i32
    %dma_start3A_74 = arith.constant 0 : i32
    %dma_start3A_75 = tpu.memref_slice %arg10[%dma_start3A_72, %dma_start3A_73, %dma_start3A_74] : memref<2x128x16xf32, #tpu.memory_space<vmem>> -> memref<1x128x16xf32, #tpu.memory_space<vmem>>
    %dma_start3A_76 = tpu.memref_squeeze %dma_start3A_75 : memref<1x128x16xf32, #tpu.memory_space<vmem>> -> memref<128x16xf32, #tpu.memory_space<vmem>>
    %dma_start3A_77 = arith.constant 0 : i32
    %dma_start3A_78 = tpu.memref_slice %arg7[%dma_start3A_71, %dma_start3A_77] : memref<2x128xi32, #tpu.memory_space<vmem>> -> memref<1x128xi32, #tpu.memory_space<vmem>>
    %dma_start3A_79 = tpu.memref_squeeze %dma_start3A_78 : memref<1x128xi32, #tpu.memory_space<vmem>> -> memref<128xi32, #tpu.memory_space<vmem>>
    %dma_start3A_80 = arith.constant 0 : i32
    %dma_start3A_81 = arith.constant 0 : i32
    %dma_start3A_82 = tpu.memref_slice %arg2[%dma_start3A_80, %dma_start3A_81] : memref<65536x16xf32, #tpu.memory_space<hbm>> -> memref<65536x16xf32, #tpu.memory_space<hbm>>
    tpu.enqueue_indirect_dma source(%dma_start3A_82 : memref<65536x16xf32, #tpu.memory_space<hbm>>) target(%dma_start3A_76 : memref<128x16xf32, #tpu.memory_space<vmem>>) offsets(%dma_start3A_79 : memref<128xi32, #tpu.memory_space<vmem>>) semaphore(%arg19 : memref<!tpu.dma_semaphore, #tpu.memory_space<semaphore_mem>>)
    %dma_start3A_83 = arith.constant 1 : i32
    %dma_start3A_84 = arith.constant 1 : i32
    %dma_start3A_85 = arith.constant 0 : i32
    %dma_start3A_86 = arith.constant 0 : i32
    %dma_start3A_87 = tpu.memref_slice %arg11[%dma_start3A_84, %dma_start3A_85, %dma_start3A_86] : memref<2x128x16xf32, #tpu.memory_space<vmem>> -> memref<1x128x16xf32, #tpu.memory_space<vmem>>
    %dma_start3A_88 = tpu.memref_squeeze %dma_start3A_87 : memref<1x128x16xf32, #tpu.memory_space<vmem>> -> memref<128x16xf32, #tpu.memory_space<vmem>>
    %dma_start3A_89 = arith.constant 0 : i32
    %dma_start3A_90 = tpu.memref_slice %arg8[%dma_start3A_83, %dma_start3A_89] : memref<2x128xi32, #tpu.memory_space<vmem>> -> memref<1x128xi32, #tpu.memory_space<vmem>>
    %dma_start3A_91 = tpu.memref_squeeze %dma_start3A_90 : memref<1x128xi32, #tpu.memory_space<vmem>> -> memref<128xi32, #tpu.memory_space<vmem>>
    %dma_start3A_92 = arith.constant 0 : i32
    %dma_start3A_93 = arith.constant 0 : i32
    %dma_start3A_94 = tpu.memref_slice %arg2[%dma_start3A_92, %dma_start3A_93] : memref<65536x16xf32, #tpu.memory_space<hbm>> -> memref<65536x16xf32, #tpu.memory_space<hbm>>
    tpu.enqueue_indirect_dma source(%dma_start3A_94 : memref<65536x16xf32, #tpu.memory_space<hbm>>) target(%dma_start3A_88 : memref<128x16xf32, #tpu.memory_space<vmem>>) offsets(%dma_start3A_91 : memref<128xi32, #tpu.memory_space<vmem>>) semaphore(%arg19 : memref<!tpu.dma_semaphore, #tpu.memory_space<semaphore_mem>>)
    %dma_wait3A_95 = arith.constant 0 : i32
    %dma_wait3A_96 = arith.constant 0 : i32
    %dma_wait3A_97 = arith.constant 0 : i32
    %dma_wait3A_98 = tpu.memref_slice %arg4[%arg1, %dma_wait3A_95, %dma_wait3A_96, %dma_wait3A_97] : memref<16x2x2x128xf32, #tpu.memory_space<hbm>> -> memref<1x2x2x128xf32, #tpu.memory_space<hbm>>
    %dma_wait3A_99 = tpu.memref_squeeze %dma_wait3A_98 : memref<1x2x2x128xf32, #tpu.memory_space<hbm>> -> memref<2x2x128xf32, #tpu.memory_space<hbm>>
    %dma_wait3A_100 = arith.constant 0 : i32
    %dma_wait3A_101 = arith.constant 0 : i32
    %dma_wait3A_102 = arith.constant 0 : i32
    %dma_wait3A_103 = tpu.memref_slice %arg4[%arg1, %dma_wait3A_100, %dma_wait3A_101, %dma_wait3A_102] : memref<16x2x2x128xf32, #tpu.memory_space<hbm>> -> memref<1x2x2x128xf32, #tpu.memory_space<hbm>>
    %dma_wait3A_104 = tpu.memref_squeeze %dma_wait3A_103 : memref<1x2x2x128xf32, #tpu.memory_space<hbm>> -> memref<2x2x128xf32, #tpu.memory_space<hbm>>
    tpu.wait_dma2 semaphore(%arg18 : memref<!tpu.dma_semaphore, #tpu.memory_space<semaphore_mem>>) src(%dma_wait3A_104 : memref<2x2x128xf32, #tpu.memory_space<hbm>>) dst(%arg12 : memref<2x2x128xf32, #tpu.memory_space<vmem>>)
    %broadcast_in_dim3A = arith.constant 0.000000e+00 : f32
    %broadcast_in_dim3A_105 = vector.broadcast %broadcast_in_dim3A : f32 to vector<16xf32>
    %dma_wait3A_106 = arith.constant 0 : i32
    %dma_wait3A_107 = arith.constant 0 : i32
    %dma_wait3A_108 = arith.constant 0 : i32
    %dma_wait3A_109 = arith.constant 0 : i32
    %dma_wait3A_110 = tpu.memref_slice %arg10[%dma_wait3A_107, %dma_wait3A_108, %dma_wait3A_109] : memref<2x128x16xf32, #tpu.memory_space<vmem>> -> memref<1x128x16xf32, #tpu.memory_space<vmem>>
    %dma_wait3A_111 = tpu.memref_squeeze %dma_wait3A_110 : memref<1x128x16xf32, #tpu.memory_space<vmem>> -> memref<128x16xf32, #tpu.memory_space<vmem>>
    %dma_wait3A_112 = arith.constant 0 : i32
    %dma_wait3A_113 = tpu.memref_slice %arg7[%dma_wait3A_106, %dma_wait3A_112] : memref<2x128xi32, #tpu.memory_space<vmem>> -> memref<1x128xi32, #tpu.memory_space<vmem>>
    %dma_wait3A_114 = tpu.memref_squeeze %dma_wait3A_113 : memref<1x128xi32, #tpu.memory_space<vmem>> -> memref<128xi32, #tpu.memory_space<vmem>>
    %dma_wait3A_115 = arith.constant 0 : i32
    %dma_wait3A_116 = arith.constant 0 : i32
    %dma_wait3A_117 = tpu.memref_slice %arg2[%dma_wait3A_115, %dma_wait3A_116] : memref<65536x16xf32, #tpu.memory_space<hbm>> -> memref<65536x16xf32, #tpu.memory_space<hbm>>
    tpu.wait_indirect_dma semaphore(%arg17 : memref<!tpu.dma_semaphore, #tpu.memory_space<semaphore_mem>>) src(%dma_wait3A_117 : memref<65536x16xf32, #tpu.memory_space<hbm>>) dst(%dma_wait3A_111 : memref<128x16xf32, #tpu.memory_space<vmem>>)
    %dma_wait3A_118 = arith.constant 0 : i32
    %dma_wait3A_119 = arith.constant 0 : i32
    %dma_wait3A_120 = arith.constant 0 : i32
    %dma_wait3A_121 = arith.constant 0 : i32
    %dma_wait3A_122 = tpu.memref_slice %arg11[%dma_wait3A_119, %dma_wait3A_120, %dma_wait3A_121] : memref<2x128x16xf32, #tpu.memory_space<vmem>> -> memref<1x128x16xf32, #tpu.memory_space<vmem>>
    %dma_wait3A_123 = tpu.memref_squeeze %dma_wait3A_122 : memref<1x128x16xf32, #tpu.memory_space<vmem>> -> memref<128x16xf32, #tpu.memory_space<vmem>>
    %dma_wait3A_124 = arith.constant 0 : i32
    %dma_wait3A_125 = tpu.memref_slice %arg8[%dma_wait3A_118, %dma_wait3A_124] : memref<2x128xi32, #tpu.memory_space<vmem>> -> memref<1x128xi32, #tpu.memory_space<vmem>>
    %dma_wait3A_126 = tpu.memref_squeeze %dma_wait3A_125 : memref<1x128xi32, #tpu.memory_space<vmem>> -> memref<128xi32, #tpu.memory_space<vmem>>
    %dma_wait3A_127 = arith.constant 0 : i32
    %dma_wait3A_128 = arith.constant 0 : i32
    %dma_wait3A_129 = tpu.memref_slice %arg2[%dma_wait3A_127, %dma_wait3A_128] : memref<65536x16xf32, #tpu.memory_space<hbm>> -> memref<65536x16xf32, #tpu.memory_space<hbm>>
    tpu.wait_indirect_dma semaphore(%arg17 : memref<!tpu.dma_semaphore, #tpu.memory_space<semaphore_mem>>) src(%dma_wait3A_129 : memref<65536x16xf32, #tpu.memory_space<hbm>>) dst(%dma_wait3A_123 : memref<128x16xf32, #tpu.memory_space<vmem>>)
    %scan3A_130 = arith.constant 0 : i32
    %scan3A_131 = arith.constant 8 : i32
    %scan3A_132 = arith.addi %scan3A_130, %scan3A_131 : i32
    %scan3A_133 = arith.constant 1 : i32
    %scan3A_134 = scf.for %scan3A_169 = %scan3A_130 to %scan3A_132 step %scan3A_133 iter_args(%scan3A_170 = %broadcast_in_dim3A_105) -> (vector<16xf32>)  : i32 {
      %jit3A = arith.constant 8 : i32
      %div3A = arith.divsi %scan3A_169, %jit3A : i32
      %sign3A = arith.constant 0 : i32
      %sign3A_171 = arith.cmpi sgt, %scan3A_169, %sign3A : i32
      %sign3A_172 = arith.extui %sign3A_171 : i1 to i32
      %sign3A_173 = arith.constant 0 : i32
      %sign3A_174 = arith.cmpi slt, %scan3A_169, %sign3A_173 : i32
      %sign3A_175 = arith.extui %sign3A_174 : i1 to i32
      %sign3A_176 = arith.subi %sign3A_172, %sign3A_175 : i32
      %sign3A_177 = arith.constant 0 : i32
      %sign3A_178 = arith.cmpi sgt, %jit3A, %sign3A_177 : i32
      %sign3A_179 = arith.extui %sign3A_178 : i1 to i32
      %sign3A_180 = arith.constant 0 : i32
      %sign3A_181 = arith.cmpi slt, %jit3A, %sign3A_180 : i32
      %sign3A_182 = arith.extui %sign3A_181 : i1 to i32
      %sign3A_183 = arith.subi %sign3A_179, %sign3A_182 : i32
      %ne3A = arith.cmpi ne, %sign3A_176, %sign3A_183 : i32
      %rem3A = arith.remsi %scan3A_169, %jit3A : i32
      %ne3A_184 = arith.constant 0 : i32
      %ne3A_185 = arith.cmpi ne, %rem3A, %ne3A_184 : i32
      %and3A = arith.andi %ne3A, %ne3A_185 : i1
      %sub3A = arith.constant 1 : i32
      %sub3A_186 = arith.subi %div3A, %sub3A : i32
      %select_n3A = arith.select %and3A, %sub3A_186, %div3A : i32
      %jit3A_187 = arith.constant 8 : i32
      %eq3A_188 = arith.constant 0 : i32
      %eq3A_189 = arith.cmpi eq, %jit3A_187, %eq3A_188 : i32
      %jit3A_190 = arith.constant 1 : i32
      %select_n3A_191 = arith.select %eq3A_189, %jit3A_190, %jit3A_187 : i32
      %rem3A_192 = arith.remsi %scan3A_169, %select_n3A_191 : i32
      %ne3A_193 = arith.constant 0 : i32
      %ne3A_194 = arith.cmpi ne, %rem3A_192, %ne3A_193 : i32
      %lt3A = arith.constant 0 : i32
      %lt3A_195 = arith.cmpi slt, %rem3A_192, %lt3A : i32
      %lt3A_196 = arith.constant 0 : i32
      %lt3A_197 = arith.cmpi slt, %select_n3A_191, %lt3A_196 : i32
      %ne3A_198 = arith.xori %lt3A_195, %lt3A_197 : i1
      %and3A_199 = arith.andi %ne3A_198, %ne3A_194 : i1
      %add3A_200 = arith.addi %rem3A_192, %select_n3A_191 : i32
      %select_n3A_201 = arith.select %and3A_199, %add3A_200, %rem3A_192 : i32
      %mul3A_202 = arith.constant 16 : i32
      %mul3A_203 = arith.muli %select_n3A_201, %mul3A_202 : i32
      %add3A_204 = vector.broadcast %mul3A_203 : i32 to vector<16xi32>
      %add3A_205 = arith.addi %iota3A, %add3A_204 : vector<16xi32>
      %mul3A_206 = arith.constant 16 : i32
      %mul3A_207 = arith.muli %scan3A_169, %mul3A_206 : i32
      %get3A = arith.index_cast %mul3A_207 : i32 to index
      %get3A_208 = tpu.vector_load %arg9[%get3A] {strides = array<i32>} : memref<256xi32, #tpu.memory_space<vmem>>, vector<16xi32>,
      %mul3A_209 = arith.constant 16 : i32
      %mul3A_210 = arith.muli %select_n3A_201, %mul3A_209 : i32
      %gather3A = arith.constant 0 : i32
      %gather3A_211 = arith.constant 0 : i32
      %gather3A_212 = tpu.memref_slice %arg10[%select_n3A, %gather3A, %gather3A_211] : memref<2x128x16xf32, #tpu.memory_space<vmem>> -> memref<1x128x16xf32, #tpu.memory_space<vmem>>
      %gather3A_213 = tpu.memref_squeeze %gather3A_212 : memref<1x128x16xf32, #tpu.memory_space<vmem>> -> memref<128x16xf32, #tpu.memory_space<vmem>>
      %gather3A_214 = tpu.vector_load_idx %gather3A_213[%add3A_205, %get3A_208] : memref<128x16xf32, #tpu.memory_space<vmem>>[vector<16xi32>, vector<16xi32>], vector<16xf32>,
      %gather3A_215 = arith.constant 0 : i32
      %gather3A_216 = arith.constant 0 : i32
      %gather3A_217 = tpu.memref_slice %arg11[%select_n3A, %gather3A_215, %gather3A_216] : memref<2x128x16xf32, #tpu.memory_space<vmem>> -> memref<1x128x16xf32, #tpu.memory_space<vmem>>
      %gather3A_218 = tpu.memref_squeeze %gather3A_217 : memref<1x128x16xf32, #tpu.memory_space<vmem>> -> memref<128x16xf32, #tpu.memory_space<vmem>>
      %gather3A_219 = tpu.vector_load_idx %gather3A_218[%add3A_205, %get3A_208] : memref<128x16xf32, #tpu.memory_space<vmem>>[vector<16xi32>, vector<16xi32>], vector<16xf32>,
      %get3A_220 = arith.constant 0 : i32
      %get3A_221 = arith.index_cast %select_n3A : i32 to index
      %get3A_222 = arith.index_cast %get3A_220 : i32 to index
      %get3A_223 = arith.index_cast %mul3A_210 : i32 to index
      %get3A_224 = tpu.vector_load %arg12[%get3A_221, %get3A_222, %get3A_223] {strides = array<i32>} : memref<2x2x128xf32, #tpu.memory_space<vmem>>, vector<16xf32>,
      %sub3A_225 = arith.subf %gather3A_214, %get3A_224 : vector<16xf32>
      %abs3A = math.absf %sub3A_225 : vector<16xf32>
      %add3A_226 = arith.addf %scan3A_170, %abs3A : vector<16xf32>
      %get3A_227 = arith.constant 1 : i32
      %get3A_228 = arith.index_cast %select_n3A : i32 to index
      %get3A_229 = arith.index_cast %get3A_227 : i32 to index
      %get3A_230 = arith.index_cast %mul3A_210 : i32 to index
      %get3A_231 = tpu.vector_load %arg12[%get3A_228, %get3A_229, %get3A_230] {strides = array<i32>} : memref<2x2x128xf32, #tpu.memory_space<vmem>>, vector<16xf32>,
      %sub3A_232 = arith.subf %gather3A_219, %get3A_231 : vector<16xf32>
      %abs3A_233 = math.absf %sub3A_232 : vector<16xf32>
      %add3A_234 = arith.addf %add3A_226, %abs3A_233 : vector<16xf32>
      scf.yield %add3A_234 : vector<16xf32>
    }
    %scan3A_135 = arith.constant 8 : i32
    %dma_wait3A_136 = arith.constant 1 : i32
    %dma_wait3A_137 = arith.constant 1 : i32
    %dma_wait3A_138 = arith.constant 0 : i32
    %dma_wait3A_139 = arith.constant 0 : i32
    %dma_wait3A_140 = tpu.memref_slice %arg10[%dma_wait3A_137, %dma_wait3A_138, %dma_wait3A_139] : memref<2x128x16xf32, #tpu.memory_space<vmem>> -> memref<1x128x16xf32, #tpu.memory_space<vmem>>
    %dma_wait3A_141 = tpu.memref_squeeze %dma_wait3A_140 : memref<1x128x16xf32, #tpu.memory_space<vmem>> -> memref<128x16xf32, #tpu.memory_space<vmem>>
    %dma_wait3A_142 = arith.constant 0 : i32
    %dma_wait3A_143 = tpu.memref_slice %arg7[%dma_wait3A_136, %dma_wait3A_142] : memref<2x128xi32, #tpu.memory_space<vmem>> -> memref<1x128xi32, #tpu.memory_space<vmem>>
    %dma_wait3A_144 = tpu.memref_squeeze %dma_wait3A_143 : memref<1x128xi32, #tpu.memory_space<vmem>> -> memref<128xi32, #tpu.memory_space<vmem>>
    %dma_wait3A_145 = arith.constant 0 : i32
    %dma_wait3A_146 = arith.constant 0 : i32
    %dma_wait3A_147 = tpu.memref_slice %arg2[%dma_wait3A_145, %dma_wait3A_146] : memref<65536x16xf32, #tpu.memory_space<hbm>> -> memref<65536x16xf32, #tpu.memory_space<hbm>>
    tpu.wait_indirect_dma semaphore(%arg19 : memref<!tpu.dma_semaphore, #tpu.memory_space<semaphore_mem>>) src(%dma_wait3A_147 : memref<65536x16xf32, #tpu.memory_space<hbm>>) dst(%dma_wait3A_141 : memref<128x16xf32, #tpu.memory_space<vmem>>)
    %dma_wait3A_148 = arith.constant 1 : i32
    %dma_wait3A_149 = arith.constant 1 : i32
    %dma_wait3A_150 = arith.constant 0 : i32
    %dma_wait3A_151 = arith.constant 0 : i32
    %dma_wait3A_152 = tpu.memref_slice %arg11[%dma_wait3A_149, %dma_wait3A_150, %dma_wait3A_151] : memref<2x128x16xf32, #tpu.memory_space<vmem>> -> memref<1x128x16xf32, #tpu.memory_space<vmem>>
    %dma_wait3A_153 = tpu.memref_squeeze %dma_wait3A_152 : memref<1x128x16xf32, #tpu.memory_space<vmem>> -> memref<128x16xf32, #tpu.memory_space<vmem>>
    %dma_wait3A_154 = arith.constant 0 : i32
    %dma_wait3A_155 = tpu.memref_slice %arg8[%dma_wait3A_148, %dma_wait3A_154] : memref<2x128xi32, #tpu.memory_space<vmem>> -> memref<1x128xi32, #tpu.memory_space<vmem>>
    %dma_wait3A_156 = tpu.memref_squeeze %dma_wait3A_155 : memref<1x128xi32, #tpu.memory_space<vmem>> -> memref<128xi32, #tpu.memory_space<vmem>>
    %dma_wait3A_157 = arith.constant 0 : i32
    %dma_wait3A_158 = arith.constant 0 : i32
    %dma_wait3A_159 = tpu.memref_slice %arg2[%dma_wait3A_157, %dma_wait3A_158] : memref<65536x16xf32, #tpu.memory_space<hbm>> -> memref<65536x16xf32, #tpu.memory_space<hbm>>
    tpu.wait_indirect_dma semaphore(%arg19 : memref<!tpu.dma_semaphore, #tpu.memory_space<semaphore_mem>>) src(%dma_wait3A_159 : memref<65536x16xf32, #tpu.memory_space<hbm>>) dst(%dma_wait3A_153 : memref<128x16xf32, #tpu.memory_space<vmem>>)
    %scan3A_160 = arith.constant 8 : i32
    %scan3A_161 = arith.constant 8 : i32
    %scan3A_162 = arith.addi %scan3A_160, %scan3A_161 : i32
    %scan3A_163 = arith.constant 1 : i32
    %scan3A_164 = scf.for %scan3A_169 = %scan3A_160 to %scan3A_162 step %scan3A_163 iter_args(%scan3A_170 = %scan3A_134) -> (vector<16xf32>)  : i32 {
      %jit3A = arith.constant 8 : i32
      %div3A = arith.divsi %scan3A_169, %jit3A : i32
      %sign3A = arith.constant 0 : i32
      %sign3A_171 = arith.cmpi sgt, %scan3A_169, %sign3A : i32
      %sign3A_172 = arith.extui %sign3A_171 : i1 to i32
      %sign3A_173 = arith.constant 0 : i32
      %sign3A_174 = arith.cmpi slt, %scan3A_169, %sign3A_173 : i32
      %sign3A_175 = arith.extui %sign3A_174 : i1 to i32
      %sign3A_176 = arith.subi %sign3A_172, %sign3A_175 : i32
      %sign3A_177 = arith.constant 0 : i32
      %sign3A_178 = arith.cmpi sgt, %jit3A, %sign3A_177 : i32
      %sign3A_179 = arith.extui %sign3A_178 : i1 to i32
      %sign3A_180 = arith.constant 0 : i32
      %sign3A_181 = arith.cmpi slt, %jit3A, %sign3A_180 : i32
      %sign3A_182 = arith.extui %sign3A_181 : i1 to i32
      %sign3A_183 = arith.subi %sign3A_179, %sign3A_182 : i32
      %ne3A = arith.cmpi ne, %sign3A_176, %sign3A_183 : i32
      %rem3A = arith.remsi %scan3A_169, %jit3A : i32
      %ne3A_184 = arith.constant 0 : i32
      %ne3A_185 = arith.cmpi ne, %rem3A, %ne3A_184 : i32
      %and3A = arith.andi %ne3A, %ne3A_185 : i1
      %sub3A = arith.constant 1 : i32
      %sub3A_186 = arith.subi %div3A, %sub3A : i32
      %select_n3A = arith.select %and3A, %sub3A_186, %div3A : i32
      %jit3A_187 = arith.constant 8 : i32
      %eq3A_188 = arith.constant 0 : i32
      %eq3A_189 = arith.cmpi eq, %jit3A_187, %eq3A_188 : i32
      %jit3A_190 = arith.constant 1 : i32
      %select_n3A_191 = arith.select %eq3A_189, %jit3A_190, %jit3A_187 : i32
      %rem3A_192 = arith.remsi %scan3A_169, %select_n3A_191 : i32
      %ne3A_193 = arith.constant 0 : i32
      %ne3A_194 = arith.cmpi ne, %rem3A_192, %ne3A_193 : i32
      %lt3A = arith.constant 0 : i32
      %lt3A_195 = arith.cmpi slt, %rem3A_192, %lt3A : i32
      %lt3A_196 = arith.constant 0 : i32
      %lt3A_197 = arith.cmpi slt, %select_n3A_191, %lt3A_196 : i32
      %ne3A_198 = arith.xori %lt3A_195, %lt3A_197 : i1
      %and3A_199 = arith.andi %ne3A_198, %ne3A_194 : i1
      %add3A_200 = arith.addi %rem3A_192, %select_n3A_191 : i32
      %select_n3A_201 = arith.select %and3A_199, %add3A_200, %rem3A_192 : i32
      %mul3A_202 = arith.constant 16 : i32
      %mul3A_203 = arith.muli %select_n3A_201, %mul3A_202 : i32
      %add3A_204 = vector.broadcast %mul3A_203 : i32 to vector<16xi32>
      %add3A_205 = arith.addi %iota3A, %add3A_204 : vector<16xi32>
      %mul3A_206 = arith.constant 16 : i32
      %mul3A_207 = arith.muli %scan3A_169, %mul3A_206 : i32
      %get3A = arith.index_cast %mul3A_207 : i32 to index
      %get3A_208 = tpu.vector_load %arg9[%get3A] {strides = array<i32>} : memref<256xi32, #tpu.memory_space<vmem>>, vector<16xi32>,
      %mul3A_209 = arith.constant 16 : i32
      %mul3A_210 = arith.muli %select_n3A_201, %mul3A_209 : i32
      %gather3A = arith.constant 0 : i32
      %gather3A_211 = arith.constant 0 : i32
      %gather3A_212 = tpu.memref_slice %arg10[%select_n3A, %gather3A, %gather3A_211] : memref<2x128x16xf32, #tpu.memory_space<vmem>> -> memref<1x128x16xf32, #tpu.memory_space<vmem>>
      %gather3A_213 = tpu.memref_squeeze %gather3A_212 : memref<1x128x16xf32, #tpu.memory_space<vmem>> -> memref<128x16xf32, #tpu.memory_space<vmem>>
      %gather3A_214 = tpu.vector_load_idx %gather3A_213[%add3A_205, %get3A_208] : memref<128x16xf32, #tpu.memory_space<vmem>>[vector<16xi32>, vector<16xi32>], vector<16xf32>,
      %gather3A_215 = arith.constant 0 : i32
      %gather3A_216 = arith.constant 0 : i32
      %gather3A_217 = tpu.memref_slice %arg11[%select_n3A, %gather3A_215, %gather3A_216] : memref<2x128x16xf32, #tpu.memory_space<vmem>> -> memref<1x128x16xf32, #tpu.memory_space<vmem>>
      %gather3A_218 = tpu.memref_squeeze %gather3A_217 : memref<1x128x16xf32, #tpu.memory_space<vmem>> -> memref<128x16xf32, #tpu.memory_space<vmem>>
      %gather3A_219 = tpu.vector_load_idx %gather3A_218[%add3A_205, %get3A_208] : memref<128x16xf32, #tpu.memory_space<vmem>>[vector<16xi32>, vector<16xi32>], vector<16xf32>,
      %get3A_220 = arith.constant 0 : i32
      %get3A_221 = arith.index_cast %select_n3A : i32 to index
      %get3A_222 = arith.index_cast %get3A_220 : i32 to index
      %get3A_223 = arith.index_cast %mul3A_210 : i32 to index
      %get3A_224 = tpu.vector_load %arg12[%get3A_221, %get3A_222, %get3A_223] {strides = array<i32>} : memref<2x2x128xf32, #tpu.memory_space<vmem>>, vector<16xf32>,
      %sub3A_225 = arith.subf %gather3A_214, %get3A_224 : vector<16xf32>
      %abs3A = math.absf %sub3A_225 : vector<16xf32>
      %add3A_226 = arith.addf %scan3A_170, %abs3A : vector<16xf32>
      %get3A_227 = arith.constant 1 : i32
      %get3A_228 = arith.index_cast %select_n3A : i32 to index
      %get3A_229 = arith.index_cast %get3A_227 : i32 to index
      %get3A_230 = arith.index_cast %mul3A_210 : i32 to index
      %get3A_231 = tpu.vector_load %arg12[%get3A_228, %get3A_229, %get3A_230] {strides = array<i32>} : memref<2x2x128xf32, #tpu.memory_space<vmem>>, vector<16xf32>,
      %sub3A_232 = arith.subf %gather3A_219, %get3A_231 : vector<16xf32>
      %abs3A_233 = math.absf %sub3A_232 : vector<16xf32>
      %add3A_234 = arith.addf %add3A_226, %abs3A_233 : vector<16xf32>
      scf.yield %add3A_234 : vector<16xf32>
    }
    %scan3A_165 = arith.constant 8 : i32
    %swap3A = arith.constant 0 : index
    %swap3A_166 = tpu.vector_load %arg13[%swap3A] {strides = array<i32>} : memref<16xf32, #tpu.memory_space<vmem>>, vector<16xf32>,
    tpu.vector_store %arg13[%swap3A], %scan3A_164 {strides = array<i32>} : memref<16xf32, #tpu.memory_space<vmem>>, vector<16xf32>,
    "tpu.region"() ({
      %run_scoped3A = tpu.sem_alloc : memref<!tpu.dma_semaphore, #tpu.memory_space<semaphore_mem>>
      %dma_start3A_169 = arith.constant 0 : i32
      %dma_start3A_170 = tpu.memref_slice %arg16[%arg1, %dma_start3A_169] : memref<16x16xf32, #tpu.memory_space<vmem_shared>> -> memref<1x16xf32, #tpu.memory_space<vmem_shared>>
      %dma_start3A_171 = tpu.memref_squeeze %dma_start3A_170 : memref<1x16xf32, #tpu.memory_space<vmem_shared>> -> memref<16xf32, #tpu.memory_space<vmem_shared>>
      %dma_start3A_172 = arith.constant 0 : i32
      %dma_start3A_173 = tpu.memref_slice %arg16[%arg1, %dma_start3A_172] : memref<16x16xf32, #tpu.memory_space<vmem_shared>> -> memref<1x16xf32, #tpu.memory_space<vmem_shared>>
      %dma_start3A_174 = tpu.memref_squeeze %dma_start3A_173 : memref<1x16xf32, #tpu.memory_space<vmem_shared>> -> memref<16xf32, #tpu.memory_space<vmem_shared>>
      tpu.enqueue_dma source(%arg13 : memref<16xf32, #tpu.memory_space<vmem>>) target(%dma_start3A_174 : memref<16xf32, #tpu.memory_space<vmem_shared>>) target_semaphore(%run_scoped3A : memref<!tpu.dma_semaphore, #tpu.memory_space<semaphore_mem>>)
      %dma_wait3A_175 = arith.constant 0 : i32
      %dma_wait3A_176 = tpu.memref_slice %arg16[%arg1, %dma_wait3A_175] : memref<16x16xf32, #tpu.memory_space<vmem_shared>> -> memref<1x16xf32, #tpu.memory_space<vmem_shared>>
      %dma_wait3A_177 = tpu.memref_squeeze %dma_wait3A_176 : memref<1x16xf32, #tpu.memory_space<vmem_shared>> -> memref<16xf32, #tpu.memory_space<vmem_shared>>
      %dma_wait3A_178 = arith.constant 0 : i32
      %dma_wait3A_179 = tpu.memref_slice %arg16[%arg1, %dma_wait3A_178] : memref<16x16xf32, #tpu.memory_space<vmem_shared>> -> memref<1x16xf32, #tpu.memory_space<vmem_shared>>
      %dma_wait3A_180 = tpu.memref_squeeze %dma_wait3A_179 : memref<1x16xf32, #tpu.memory_space<vmem_shared>> -> memref<16xf32, #tpu.memory_space<vmem_shared>>
      tpu.wait_dma2 semaphore(%run_scoped3A : memref<!tpu.dma_semaphore, #tpu.memory_space<semaphore_mem>>) src(%arg13 : memref<16xf32, #tpu.memory_space<vmem>>) dst(%dma_wait3A_180 : memref<16xf32, #tpu.memory_space<vmem_shared>>)
      tpu.yield
    }) : () -> ()
    %barrier3A = arith.constant 0 : index
    tpu.barrier barrier_id(%barrier3A)
    %eq3A = arith.constant 0 : i32
    %eq3A_167 = arith.cmpi eq, %arg1, %eq3A : i32
    %convert_element_type3A = arith.extui %eq3A_167 : i1 to i32
    %cond3A = arith.constant 0 : i32
    %cond3A_168 = arith.cmpi ne, %convert_element_type3A, %cond3A : i32
    scf.if %cond3A_168 {
      "tpu.region"() ({
        %run_scoped3A = tpu.sem_alloc : memref<!tpu.dma_semaphore, #tpu.memory_space<semaphore_mem>>
        tpu.enqueue_dma source(%arg16 : memref<16x16xf32, #tpu.memory_space<vmem_shared>>) target(%arg14 : memref<16x16xf32, #tpu.memory_space<vmem>>) target_semaphore(%run_scoped3A : memref<!tpu.dma_semaphore, #tpu.memory_space<semaphore_mem>>)
        tpu.wait_dma2 semaphore(%run_scoped3A : memref<!tpu.dma_semaphore, #tpu.memory_space<semaphore_mem>>) src(%arg16 : memref<16x16xf32, #tpu.memory_space<vmem_shared>>) dst(%arg14 : memref<16x16xf32, #tpu.memory_space<vmem>>)
        tpu.yield
      }) : () -> ()
      %broadcast_in_dim3A_169 = arith.constant 0.000000e+00 : f32
      %broadcast_in_dim3A_170 = vector.broadcast %broadcast_in_dim3A_169 : f32 to vector<16xf32>
      %scan3A_171 = arith.constant 0 : i32
      %scan3A_172 = arith.constant 16 : i32
      %scan3A_173 = arith.addi %scan3A_171, %scan3A_172 : i32
      %scan3A_174 = arith.constant 1 : i32
      %scan3A_175 = scf.for %scan3A_185 = %scan3A_171 to %scan3A_173 step %scan3A_174 iter_args(%scan3A_186 = %broadcast_in_dim3A_170) -> (vector<16xf32>)  : i32 {
        %get3A = arith.index_cast %scan3A_185 : i32 to index
        %get3A_187 = arith.constant 0 : index
        %get3A_188 = tpu.vector_load %arg14[%get3A, %get3A_187] {strides = array<i32>} : memref<16x16xf32, #tpu.memory_space<vmem>>, vector<16xf32>,
        %add3A_189 = arith.addf %scan3A_186, %get3A_188 : vector<16xf32>
        scf.yield %add3A_189 : vector<16xf32>
      }
      %scan3A_176 = arith.constant 16 : i32
      %reduce_sum3A = arith.constant true
      %reduce_sum3A_177 = vector.broadcast %reduce_sum3A : i1 to vector<16xi1>
      %reduce_sum3A_178 = tpu.scan <sum>, %scan3A_175 masked %reduce_sum3A_177 : vector<16xf32>, vector<16xi1> -> vector<16xf32>
      %reduce_sum3A_179 = vector.extract %reduce_sum3A_178[15] : f32 from vector<16xf32>
      %mul3A_180 = arith.constant 2.44140625E-4 : f32
      %mul3A_181 = arith.mulf %reduce_sum3A_179, %mul3A_180 : f32
      %broadcast_in_dim3A_182 = vector.broadcast %mul3A_181 : f32 to vector<16xf32>
      %swap3A_183 = arith.constant 0 : index
      %swap3A_184 = tpu.vector_load %arg15[%swap3A_183] {strides = array<i32>} : memref<16xf32, #tpu.memory_space<vmem>>, vector<16xf32>,
      tpu.vector_store %arg15[%swap3A_183], %broadcast_in_dim3A_182 {strides = array<i32>} : memref<16xf32, #tpu.memory_space<vmem>>, vector<16xf32>,
      "tpu.region"() ({
        %run_scoped3A = tpu.sem_alloc : memref<!tpu.dma_semaphore, #tpu.memory_space<semaphore_mem>>
        %dma_start3A_185 = arith.constant 0 : i32
        %dma_start3A_186 = tpu.memref_slice %arg15[%dma_start3A_185] : memref<16xf32, #tpu.memory_space<vmem>> -> memref<1xf32, #tpu.memory_space<vmem>>
        %dma_start3A_187 = arith.constant 0 : i32
        %dma_start3A_188 = tpu.memref_slice %arg15[%dma_start3A_187] : memref<16xf32, #tpu.memory_space<vmem>> -> memref<1xf32, #tpu.memory_space<vmem>>
        tpu.enqueue_dma source(%dma_start3A_188 : memref<1xf32, #tpu.memory_space<vmem>>) target(%arg5 : memref<1xf32, #tpu.memory_space<hbm>>) target_semaphore(%run_scoped3A : memref<!tpu.dma_semaphore, #tpu.memory_space<semaphore_mem>>)
        %dma_wait3A_189 = arith.constant 0 : i32
        %dma_wait3A_190 = tpu.memref_slice %arg15[%dma_wait3A_189] : memref<16xf32, #tpu.memory_space<vmem>> -> memref<1xf32, #tpu.memory_space<vmem>>
        %dma_wait3A_191 = arith.constant 0 : i32
        %dma_wait3A_192 = tpu.memref_slice %arg15[%dma_wait3A_191] : memref<16xf32, #tpu.memory_space<vmem>> -> memref<1xf32, #tpu.memory_space<vmem>>
        tpu.wait_dma2 semaphore(%run_scoped3A : memref<!tpu.dma_semaphore, #tpu.memory_space<semaphore_mem>>) src(%dma_wait3A_192 : memref<1xf32, #tpu.memory_space<vmem>>) dst(%arg5 : memref<1xf32, #tpu.memory_space<hbm>>)
        tpu.yield
      }) : () -> ()
    } else {
    }
    return
  }
}

</mosaic_0001>

<sc_bundles>
// kernel: kernel.3.cloned.1.call-start
scs
__scs_entry_jumppad:
0x0: {  	(pc) =	sbr.rel $0x88, $3  }
0x1: {  	(tag) =	ssettag $0x0;
	lr =	simm.s32 $0x1  }
0x2: {  	[smem:$0x3F9E] =	sst lr;
	_ =	strace $0xD0000000  }
0x3: {  	_ = 	snop  }
0x4: {  	_ = 	snop  }
0x5: {  	_ = 	snop  }
0x6: {  	_ = 	snop  }
0x7: {  	_ = 	snop  }
__scs_overlays_trampoline_lowered:
0x8: {  	[smem:$0x3FAD] =	sst s0  }
0x9: {  	[smem:$0x3FAE] =	sst s1  }
0xa: {  	[smem:$0x3FAF] =	sst s2  }
0xb: {  	[smem:$0x3FB0] =	sst s3  }
0xc: {  	[smem:$0x3FB1] =	sst s4  }
0xd: {  	[smem:$0x3FB2] =	sst s5  }
0xe: {  	[smem:$0x3FB3] =	sst s6  }
0xf: {  	[smem:$0x3FB4] =	sst s7  }
0x10: {  	[smem:$0x3FB5] =	sst s8  }
0x11: {  	[smem:$0x3FB6] =	sst s9;
	s0 =	simm.s32 @!p0 $0x0  }
0x12: {  	s1 =	sld [smem:$0x3F9C];
	s0 =	simm.s32 @p0 $0x1  }
0x13: {  	[smem:$0x3FB7] =	sst s0;
	s0 =	simm.s32 @!p1 $0x0  }
0x14: {  	s2 =	sld [smem:$0x3F9B];
	s0 =	simm.s32 @p1 $0x1  }
0x15: {  	[smem:$0x3FB8] =	sst s0;
	s0 =	simm.s32 @!p2 $0x0  }
0x16: {  	s3 =	sld [smem:$0x3FDB];
	s0 =	simm.s32 @p2 $0x1  }
0x17: {  	s4 =	simm.s32 $0x1BF5;
	[smem:$0x3FBA] =	sst s0  }
0x18: {  	s0 =	sld [smem:$0x3F9D];
	_ =	swait.ge [sflag:s4], $0x0  }
0x19: {  	s7 =	sld [smem:$0x3F9E]  }
0x1a: {  	s8 =	sadd.s32 $0xFFFFE003, lr  }
0x1b: {  	s9 =	sadd.s32 $0xFFFFFEF7, lr;
	s5 =	simm.s32 $0xFFFFFFFF;
	p2 =	slt.u32 s8, $0xFFFFF086  }
0x1c: {  	p1 =	slt.u32 s9, $0xF7A;
	s5 =	simm.s32 @!p2 $0x0  }
0x1d: {  	s5 =	simm.s32 @p1 $0x1;
	p0 =	seq.s32 s7, s2  }
0x1e: {  	s7 =	smul.u32 @!p0 $0xF7A, s2;
	p2 =	seq.s32 @!p0 s5, $0x0  }
0x1f: {  	s9 =	smul.u32 $0xF7A, s1;
	s8 =	simm.s32 @!p0 $0x1BF5;
	p2 =	por !p2, p0  }
0x20: {  	[sflag:s8] =	ssyncset.s32 @!p0 $0xFFFFF086;
	s6 =	sadd.s32 @!p0 s3, s7;
	s7 =	simm.s32 @!p0 $0x108  }
0x21: {  	s3 =	sadd.s32 s3, s9;
	s6 =	sadd.s32 @!p0 $0x88, s6;
	s7 =	simm.s32 @p2 $0x1082  }
0x22: {  	[simem:s7], [sflag:s8] =	dma.local @!p0 [hbm:s6], $0xF7A  }
0x23: {  	s9 =	sor.u32 $0xD0000000, s2;
	s6 =	simm.s32 $0x108;
	_ =	swait.ge @!p0 [sflag:s8], $0x0  }
0x24: {  	s3 =	sadd.s32 $0x88, s3;
	s6 =	simm.s32 @!p1 $0x1082;
	[sflag:s4] =	ssyncset.s32 $0xFFFFF086  }
0x25: {  	[simem:s6], [sflag:s4] =	dma.local [hbm:s3], $0xF7A  }
0x26: {  	[smem:$0x3F9E] =	sst s1;
	(tag) =	ssettag s2;
	_ =	strace s9  }
0x27: {  	s1 =	sld [smem:$0x3FAE]  }
0x28: {  	s2 =	sld [smem:$0x3FAF]  }
0x29: {  	s4 =	sld [smem:$0x3FB1]  }
0x2a: {  	p0 =	seq.s32 s5, $0x0;
	s5 =	sld [smem:$0x3FB2]  }
0x2b: {  	s6 =	sld [smem:$0x3FB3]  }
0x2c: {  	s7 =	sld [smem:$0x3FB4]  }
0x2d: {  	s3 =	simm.s32 $0x108;
	s8 =	sld [smem:$0x3FB5]  }
0x2e: {  	s3 =	simm.s32 @!p0 $0x1082;
	s9 =	sld [smem:$0x3FB6]  }
0x2f: {  	lr =	sadd.s32 s0, s3;
	s0 =	sld [smem:$0x3FAD]  }
0x30: {  	s3 =	sld [smem:$0x3FB0]  }
0x31: {  	[smem:$0x3FB9] =	sst s10  }
0x32: {  	s10 =	sld [smem:$0x3FB7];
	_ =	sdelay $0x3  }
0x33: {  	p0 =	seq.s32 s10, $0x1;
	s10 =	sld [smem:$0x3FB9];
	_ =	sdelay $0x3  }
0x34: {  	[smem:$0x3FB9] =	sst s10  }
0x35: {  	s10 =	sld [smem:$0x3FB8];
	_ =	sdelay $0x3  }
0x36: {  	p1 =	seq.s32 s10, $0x1;
	s10 =	sld [smem:$0x3FB9];
	_ =	sdelay $0x3  }
0x37: {  	[smem:$0x3FB9] =	sst s10  }
0x38: {  	s10 =	sld [smem:$0x3FBA]  }
0x39: {  	_ = 	snop;
	(pc) =	sbr.ind lr, $3  }
0x3a: {  	_ = 	snop  }
0x3b: {  	_ = 	snop  }
0x3c: {  	p2 =	seq.s32 s10, $0x1;
	s10 =	sld [smem:$0x3FB9]  }
0x3d: {  	_ =	shalt  }
0x3e: {  	_ =	shalt  }
0x3f: {  	_ =	shalt  }
0x40: {  	_ =	shalt  }
0x41: {  	_ =	shalt  }
0x42: {  	_ =	shalt  }
0x43: {  	_ =	shalt  }
0x44: {  	_ =	shalt  }
0x45: {  	_ =	shalt  }
0x46: {  	_ =	shalt  }
0x47: {  	_ =	shalt  }
0x48: {  	_ =	shalt  }
0x49: {  	_ =	shalt  }
0x4a: {  	_ =	shalt  }
0x4b: {  	_ =	shalt  }
0x4c: {  	_ =	shalt  }
0x4d: {  	_ =	shalt  }
0x4e: {  	_ =	shalt  }
0x4f: {  	_ =	shalt  }
0x50: {  	_ =	shalt  }
0x51: {  	_ =	shalt  }
0x52: {  	_ =	shalt  }
0x53: {  	_ =	shalt  }
0x54: {  	_ =	shalt  }
0x55: {  	_ =	shalt  }
0x56: {  	_ =	shalt  }
0x57: {  	_ =	shalt  }
0x58: {  	_ =	shalt  }
0x59: {  	_ =	shalt  }
0x5a: {  	_ =	shalt  }
0x5b: {  	_ =	shalt  }
0x5c: {  	_ =	shalt  }
0x5d: {  	_ =	shalt  }
0x5e: {  	_ =	shalt  }
0x5f: {  	_ =	shalt  }
0x60: {  	_ =	shalt  }
0x61: {  	_ =	shalt  }
0x62: {  	_ =	shalt  }
0x63: {  	_ =	shalt  }
0x64: {  	_ =	shalt  }
0x65: {  	_ =	shalt  }
0x66: {  	_ =	shalt  }
0x67: {  	_ =	shalt  }
0x68: {  	_ =	shalt  }
0x69: {  	_ =	shalt  }
0x6a: {  	_ =	shalt  }
0x6b: {  	_ =	shalt  }
0x6c: {  	_ =	shalt  }
0x6d: {  	_ =	shalt  }
0x6e: {  	_ =	shalt  }
0x6f: {  	_ =	shalt  }
0x70: {  	_ =	shalt  }
0x71: {  	_ =	shalt  }
0x72: {  	_ =	shalt  }
0x73: {  	_ =	shalt  }
0x74: {  	_ =	shalt  }
0x75: {  	_ =	shalt  }
0x76: {  	_ =	shalt  }
0x77: {  	_ =	shalt  }
0x78: {  	_ =	shalt  }
0x79: {  	_ =	shalt  }
0x7a: {  	_ =	shalt  }
0x7b: {  	_ =	shalt  }
0x7c: {  	_ =	shalt  }
0x7d: {  	_ =	shalt  }
0x7e: {  	_ =	shalt  }
0x7f: {  	_ =	shalt  }
0x80: {  	_ =	shalt  }
0x81: {  	_ =	shalt  }
0x82: {  	_ =	shalt  }
0x83: {  	_ =	shalt  }
0x84: {  	_ =	shalt  }
0x85: {  	_ =	shalt  }
0x86: {  	_ =	shalt  }
0x87: {  	_ =	shalt  }
.Lfunc_end0:
.L_simem_size_0:
called_computation_lowered:
.L_overlay_start_0:
0x88: {  	s0 =	sld [smem:$0x3FD9]  }
0x89: {  	s1 =	sld [smem:$0x3FFE];
	_ =	sdelay $0x3  }
0x8a: {  	s0 =	sadd.s32 s1, s0  }
0x8b: {  	[smem:$0x3FC5] =	sst s0  }
0x8c: {  	_ = 	snop  }
0x8d: {  	s0 =	sld [smem:$0x3FC9]  }
0x8e: {  	s17 =	sld [smem:$0x3FC8]  }
0x8f: {  	s2 =	sld [smem:$0x3FC7]  }
0x90: {  	s3 =	sld [smem:$0x3FD0];
	(tm) =	ssettm $0x1  }
0x91: {  	s4 =	sld [smem:$0x3FFB];
	_ =	sdelay $0x3  }
0x92: {  	_ =	strace s4  }
0x93: {  	s4 =	sld [smem:$0x3FFC];
	_ =	sdelay $0x3  }
0x94: {  	_ =	strace s4  }
0x95: {  	s4 =	sld [smem:$0x3FFD];
	_ =	sdelay $0x3  }
0x96: {  	_ =	strace s4  }
0x97: {  	_ =	strace $0x8FFFFFFF  }
0x98: {  	s18 =	sld [smem:$0x3FDB];
	_ =	sdelay $0x1  }
0x99: {  	s5 =	simm.s32 $_scs_section_size  }
0x9a: {  	s6 =	simm.s32 $_size__tile_overlayer_lowered;
	s7 =	simm.s32 $_tile_overlayer_lowered  }
0x9b: {  	s21 =	simm.s32 $0x1BFF;
	s20 =	sshll.u32 s7, $0x1;
	s4 =	sadd.s32 s5, s18  }
0x9c: {  	s8 =	simm.s32 $0x0;
	s19 =	sshll.u32 s6, $0x1;
	s6 =	sadd.s32 s20, s4  }
0x9d: {  	[timem:s8], [sflag:s21] =	dma.local [hbm:s6], s19  }
0x9e: {  	_ =	swait.ge [sflag:s21], s19  }
0x9f: {  	s5 =	ssub.s32 $0x0, s19;
	[sflag:s21] =	ssyncset.done $0x0  }
0xa0: {  	[sflag:s21] =	ssyncadd.s32 s5;
	_ =	sdelay $0x1  }
0xa1: {  	s22 =	simm.s32 $0x1B8B  }
0xa2: {  	_ =	swait.ge [sflag:s22], $0x1  }
0xa3: {  	[sflag:s22] =	ssyncset.done $0x0  }
0xa4: {  	s23 =	simm.s32 $0x1B8E;
	[sflag:s22] =	ssyncadd.s32 $0xFFFFFFFF  }
0xa5: {  	s24 =	simm.s32 $execute0_lowered;
	[smem:$0x3FD2] =	sst s23  }
0xa6: {  	s5 =	sshll.u32 s24, $0x1;
	_ =	strace $0x80000046;
	[dreg:$0x1] =	wrdreg $0xFFFFFFFF  }
0xa7: {  	s25 =	simm.s32 $_size_execute0_lowered;
	s4 =	sadd.s32 s4, s5;
	[dreg:$0x0] =	wrdreg $0x0  }
0xa8: {  	s5 =	sshll.u32 s25, $0x1;
	[dreg:$0x2] =	wrdreg s4  }
0xa9: {  	[dreg:$0x3] =	wrdreg s5  }
0xaa: {  	[dreg:$0x4] =	wrdreg $0xC0  }
0xab: {  	_ =	task [dreg:s8], $0x5FFFF  }
0xac: {  	[dreg:$0x1] =	wrdreg $0xFFFFFFFF  }
0xad: {  	[dreg:$0x0] =	wrdreg $0x60  }
0xae: {  	[dreg:$0x2] =	wrdreg s0  }
0xaf: {  	[dreg:$0x3] =	wrdreg s17  }
0xb0: {  	[dreg:$0x4] =	wrdreg s2  }
0xb1: {  	[dreg:$0x5] =	wrdreg s3  }
0xb2: {  	[dreg:$0x6] =	wrdreg $0x27200  }
0xb3: {  	[dreg:$0x7] =	wrdreg $0x9  }
0xb4: {  	_ =	task.clear_ibuf [dreg:s8], $0x8FFFF;
	_ =	strace $0x90000046  }
0xb5: {  	s26 =	simm.s32 $0x9;
	_ =	strace $0x80000048  }
0xb6: {  	_ =	swait.ge [sflag:s26], $0x1  }
0xb7: {  	[sflag:s26] =	ssyncadd.s32 $0xFFFFFFFF  }
0xb8: {  	_ =	strace $0x90000048  }
0xb9: {  	_ =	sfence  }
0xba: {  	s28 =	sld [smem:$0x0];
	_ =	sdelay $0x1  }
0xbb: {  	s29 =	srdreg.scid  }
0xbc: {  	s30 =	sshll.u32 s29, $0xD;
	s31 =	sshrl.u32 s29, $0x2  }
0xbd: {  	s1 =	sand.u32 $0x1, s29;
	s2 =	sand.u32 $0x4000, s30;
	s0 =	sadd.s32 s31, s28  }
0xbe: {  	s1 =	sor.u32 s2, s1;
	s0 =	sshll.u32 s0, $0x11  }
0xbf: {  	s0 =	sor.u32 s0, s1  }
0xc0: {  	s0 =	sadd.s32 $0x8F2B, s0  }
0xc1: {  	[sflag:s0] =	ssyncadd.remote.s32 $0x1  }
0xc2: {  	_ =	sfence.sel $0xFFFF  }
0xc3: {  	[dreg:$0x0] =	wrdreg $0xFFFFFFFF;
	(pc) =	sbr.abs _section_cstart, $3  }
0xc4: {  	[dreg:$0x1] =	wrdreg $0xFFFFFFFF  }
0xc5: {  	_ =	task.clear_ibuf [dreg:s8], $0x2FFFF;
	_ =	strace $0x9FFFFFFF  }
0xc6: {  	(tm) =	ssettm $0x7FFFFFFF  }
0xc7: {  	_ =	shalt  }
tec
execute0_lowered:
.L_overlay_start_1:
0x0: {  	(tag) =	ssettag $0x1  }
0x1: {  	s8 =	rddreg [dreg:$0x0]  }
0x2: {  	s4 =	rddreg [dreg:$0x1]  }
0x3: {  	s6 =	rddreg [dreg:$0x2]  }
0x4: {  	s1 =	rddreg [dreg:$0x3]  }
0x5: {  	s2 =	rddreg [dreg:$0x4];
	s5 =	simm.s32 $0x0;
	s3 =	stileid.u32  }
0x6: {  	[smem:$0x7FF] =	sst s5;
	s7 =	sshll.u32 s3, $0x5  }
0x7: {  	s0 =	rddreg [dreg:$0x5];
	_ =	strace $0x80000047;
	s4 =	sadd.s32 s4, s7  }
0x8: {  	[tilespmem:s5], [sflag:$0x4] =	stream.linear.gather [hbm4b:s4+s5], $0x80, $0x38;
	[tilespmem:$0x2730] =	vst v63  }
0x9: {  	s9 =	simm.s32 $0x80;
	s7 =	sadd.s32 $0x10, s4;
	s4 =	sshll.u32 s3, $0x6  }
0xa: {  	[tilespmem:s9], [sflag:$0x4] =	stream.linear.gather [hbm4b:s7+s5], $0x80, $0x38;
	[tilespmem:$0x2730] =	vst v63  }
0xb: {  	s15 =	simm.s32 $0x2400;
	s10 =	simm.s32 $0x4;
	s6 =	sadd.s32 s6, s4  }
0xc: {  	[tilespmem:s15], [sflag:$0x2] =	stream.linear.gather [hbm4b:s6+s5], $0x200, $0x38;
	[tilespmem:$0x2730] =	vst v63  }
0xd: {  	_ =	swait.ge [sflag:s10], $0x80  }
0xe: {  	[sflag:s10] =	ssyncset.done $0x0  }
0xf: {  	[sflag:s10] =	ssyncadd.s32 $0xFFFFFF80  }
0x10: {  	v0 =	vld [tilespmem:$0x0];
	_ =	sdelay $0x2  }
0x11: {  	v1 =	vld [tilespmem:$0x10];
	_ =	sdelay $0x1  }
0x12: {  	v2 =	vshll.u32 v0, $0x1;
	v0 =	vand.u32 $0x3FFF, v0  }
0x13: {  	v0 =	vsub.s32 v2, v0;
	v2 =	vld [tilespmem:$0x20]  }
0x14: {  	v3 =	vshrl.u32 v0, $0x4  }
0x15: {  	v4 =	vshll.u32 v1, $0x1;
	v1 =	vand.u32 $0x3FFF, v1;
	[tilespmem:$0x100] =	vst v3;
	v3 =	vadd.s32 $0x400, v3  }
0x16: {  	v1 =	vsub.s32 v4, v1;
	v0 =	vand.u32 $0xF, v0;
	[tilespmem:$0x200] =	vst v3;
	v3 =	vld [tilespmem:$0x30]  }
0x17: {  	[tilespmem:$0x300] =	vst v0;
	v0 =	vshrl.u32 v1, $0x4  }
0x18: {  	[tilespmem:$0x110] =	vst v0;
	v0 =	vadd.s32 $0x400, v0;
	v4 =	vshll.u32 v2, $0x1;
	v2 =	vand.u32 $0x3FFF, v2  }
0x19: {  	[tilespmem:$0x210] =	vst v0;
	v0 =	vand.u32 $0xF, v1;
	v1 =	vsub.s32 v4, v2;
	v2 =	vld [tilespmem:$0x40]  }
0x1a: {  	[tilespmem:$0x310] =	vst v0;
	v0 =	vshrl.u32 v1, $0x4  }
0x1b: {  	[tilespmem:$0x120] =	vst v0;
	v0 =	vadd.s32 $0x400, v0;
	v4 =	vshll.u32 v3, $0x1;
	v3 =	vand.u32 $0x3FFF, v3  }
0x1c: {  	[tilespmem:$0x220] =	vst v0;
	v0 =	vand.u32 $0xF, v1;
	v1 =	vsub.s32 v4, v3;
	v3 =	vld [tilespmem:$0x50]  }
0x1d: {  	[tilespmem:$0x320] =	vst v0;
	v0 =	vshrl.u32 v1, $0x4  }
0x1e: {  	[tilespmem:$0x130] =	vst v0;
	v0 =	vadd.s32 $0x400, v0;
	v4 =	vshll.u32 v2, $0x1;
	v2 =	vand.u32 $0x3FFF, v2  }
0x1f: {  	[tilespmem:$0x230] =	vst v0;
	v0 =	vand.u32 $0xF, v1;
	v1 =	vsub.s32 v4, v2;
	v2 =	vld [tilespmem:$0x60]  }
0x20: {  	[tilespmem:$0x330] =	vst v0;
	v0 =	vshrl.u32 v1, $0x4  }
0x21: {  	[tilespmem:$0x140] =	vst v0;
	v0 =	vadd.s32 $0x400, v0;
	v4 =	vshll.u32 v3, $0x1;
	v3 =	vand.u32 $0x3FFF, v3  }
0x22: {  	[tilespmem:$0x240] =	vst v0;
	v0 =	vand.u32 $0xF, v1;
	v1 =	vsub.s32 v4, v3;
	v3 =	vld [tilespmem:$0x70]  }
0x23: {  	[tilespmem:$0x340] =	vst v0;
	v0 =	vshrl.u32 v1, $0x4  }
0x24: {  	[tilespmem:$0x150] =	vst v0;
	v0 =	vadd.s32 $0x400, v0;
	v4 =	vshll.u32 v2, $0x1;
	v2 =	vand.u32 $0x3FFF, v2  }
0x25: {  	[tilespmem:$0x250] =	vst v0;
	v0 =	vand.u32 $0xF, v1;
	v1 =	vsub.s32 v4, v2  }
0x26: {  	[tilespmem:$0x350] =	vst v0;
	v0 =	vshrl.u32 v1, $0x4  }
0x27: {  	[tilespmem:$0x160] =	vst v0;
	v0 =	vadd.s32 $0x400, v0;
	v2 =	vshll.u32 v3, $0x1;
	v3 =	vand.u32 $0x3FFF, v3  }
0x28: {  	[tilespmem:$0x260] =	vst v0;
	v0 =	vand.u32 $0xF, v1;
	v1 =	vsub.s32 v2, v3  }
0x29: {  	[tilespmem:$0x360] =	vst v0;
	v0 =	vshrl.u32 v1, $0x4  }
0x2a: {  	[tilespmem:$0x170] =	vst v0;
	v0 =	vadd.s32 $0x400, v0  }
0x2b: {  	[tilespmem:$0x270] =	vst v0;
	v0 =	vand.u32 $0xF, v1  }
0x2c: {  	s16 =	simm.s32 $0x100;
	s6 =	simm.s32 $0x400;
	[tilespmem:$0x370] =	vst v0  }
0x2d: {  	[tilespmem:s6], [sflag:$0x1] =	stream.indirect.gather [hbm4b:s8+s9], $0x10, s16, s9, $0xb8;
	[tilespmem:$0x2730] =	vst v63  }
0x2e: {  	s11 =	simm.s32 $0x200;
	s7 =	simm.s32 $0x1400  }
0x2f: {  	[tilespmem:s7], [sflag:$0x1] =	stream.indirect.gather [hbm4b:s8+s9], $0x10, s11, s9, $0xb8;
	[tilespmem:$0x2730] =	vst v63  }
0x30: {  	_ =	swait.ge [sflag:s10], $0x80  }
0x31: {  	[sflag:s10] =	ssyncset.done $0x0  }
0x32: {  	[sflag:s10] =	ssyncadd.s32 $0xFFFFFF80  }
0x33: {  	v0 =	vld [tilespmem:$0x80];
	_ =	sdelay $0x2  }
0x34: {  	v1 =	vld [tilespmem:$0x90];
	_ =	sdelay $0x1  }
0x35: {  	v2 =	vshll.u32 v0, $0x1;
	v0 =	vand.u32 $0x3FFF, v0  }
0x36: {  	v0 =	vsub.s32 v2, v0;
	v2 =	vld [tilespmem:$0xA0]  }
0x37: {  	v3 =	vshrl.u32 v0, $0x4  }
0x38: {  	v4 =	vshll.u32 v1, $0x1;
	v1 =	vand.u32 $0x3FFF, v1;
	[tilespmem:$0x180] =	vst v3;
	v3 =	vadd.s32 $0x400, v3  }
0x39: {  	v1 =	vsub.s32 v4, v1;
	v0 =	vand.u32 $0xF, v0;
	[tilespmem:$0x280] =	vst v3;
	v3 =	vld [tilespmem:$0xB0]  }
0x3a: {  	[tilespmem:$0x380] =	vst v0;
	v0 =	vshrl.u32 v1, $0x4  }
0x3b: {  	[tilespmem:$0x190] =	vst v0;
	v0 =	vadd.s32 $0x400, v0;
	v4 =	vshll.u32 v2, $0x1;
	v2 =	vand.u32 $0x3FFF, v2  }
0x3c: {  	[tilespmem:$0x290] =	vst v0;
	v0 =	vand.u32 $0xF, v1;
	v1 =	vsub.s32 v4, v2;
	v2 =	vld [tilespmem:$0xC0]  }
0x3d: {  	[tilespmem:$0x390] =	vst v0;
	v0 =	vshrl.u32 v1, $0x4  }
0x3e: {  	[tilespmem:$0x1A0] =	vst v0;
	v0 =	vadd.s32 $0x400, v0;
	v4 =	vshll.u32 v3, $0x1;
	v3 =	vand.u32 $0x3FFF, v3  }
0x3f: {  	[tilespmem:$0x2A0] =	vst v0;
	v0 =	vand.u32 $0xF, v1;
	v1 =	vsub.s32 v4, v3;
	v3 =	vld [tilespmem:$0xD0]  }
0x40: {  	[tilespmem:$0x3A0] =	vst v0;
	v0 =	vshrl.u32 v1, $0x4  }
0x41: {  	[tilespmem:$0x1B0] =	vst v0;
	v0 =	vadd.s32 $0x400, v0;
	v4 =	vshll.u32 v2, $0x1;
	v2 =	vand.u32 $0x3FFF, v2  }
0x42: {  	[tilespmem:$0x2B0] =	vst v0;
	v0 =	vand.u32 $0xF, v1;
	v1 =	vsub.s32 v4, v2;
	v2 =	vld [tilespmem:$0xE0]  }
0x43: {  	[tilespmem:$0x3B0] =	vst v0;
	v0 =	vshrl.u32 v1, $0x4  }
0x44: {  	[tilespmem:$0x1C0] =	vst v0;
	v0 =	vadd.s32 $0x400, v0;
	v4 =	vshll.u32 v3, $0x1;
	v3 =	vand.u32 $0x3FFF, v3  }
0x45: {  	[tilespmem:$0x2C0] =	vst v0;
	v0 =	vand.u32 $0xF, v1;
	v1 =	vsub.s32 v4, v3;
	v3 =	vld [tilespmem:$0xF0]  }
0x46: {  	[tilespmem:$0x3C0] =	vst v0;
	v0 =	vshrl.u32 v1, $0x4  }
0x47: {  	[tilespmem:$0x1D0] =	vst v0;
	v0 =	vadd.s32 $0x400, v0;
	v4 =	vshll.u32 v2, $0x1;
	v2 =	vand.u32 $0x3FFF, v2  }
0x48: {  	[tilespmem:$0x2D0] =	vst v0;
	v0 =	vand.u32 $0xF, v1;
	v1 =	vsub.s32 v4, v2  }
0x49: {  	[tilespmem:$0x3D0] =	vst v0;
	v0 =	vshrl.u32 v1, $0x4  }
0x4a: {  	[tilespmem:$0x1E0] =	vst v0;
	v0 =	vadd.s32 $0x400, v0;
	v2 =	vshll.u32 v3, $0x1;
	v3 =	vand.u32 $0x3FFF, v3  }
0x4b: {  	[tilespmem:$0x2E0] =	vst v0;
	v0 =	vand.u32 $0xF, v1;
	v1 =	vsub.s32 v2, v3  }
0x4c: {  	[tilespmem:$0x3E0] =	vst v0;
	v0 =	vshrl.u32 v1, $0x4  }
0x4d: {  	[tilespmem:$0x1F0] =	vst v0;
	v0 =	vadd.s32 $0x400, v0  }
0x4e: {  	[tilespmem:$0x2F0] =	vst v0;
	v0 =	vand.u32 $0xF, v1  }
0x4f: {  	s17 =	simm.s32 $0x180;
	s18 =	simm.s32 $0xC00;
	[tilespmem:$0x3F0] =	vst v0  }
0x50: {  	[tilespmem:s18], [sflag:$0x3] =	stream.indirect.gather [hbm4b:s8+s9], $0x10, s17, s9, $0xb8;
	[tilespmem:$0x2730] =	vst v63  }
0x51: {  	s19 =	simm.s32 $0x280;
	s20 =	simm.s32 $0x1C00;
	s21 =	simm.s32 $0x2  }
0x52: {  	[tilespmem:s20], [sflag:$0x3] =	stream.indirect.gather [hbm4b:s8+s9], $0x10, s19, s9, $0xb8;
	[tilespmem:$0x2730] =	vst v63  }
0x53: {  	_ =	swait.ge [sflag:s21], $0x200  }
0x54: {  	[sflag:s21] =	ssyncset.done $0x0  }
0x55: {  	s22 =	simm.s32 $0x1;
	[sflag:s21] =	ssyncadd.s32 $0xFFFFFE00  }
0x56: {  	_ =	swait.ge [sflag:s22], $0x800  }
0x57: {  	[sflag:s22] =	ssyncset.done $0x0  }
0x58: {  	[sflag:s22] =	ssyncadd.s32 $0xFFFFF800  }
0x59: {  	_ =	swait.ge [sflag:s22], $0x800  }
0x5a: {  	[sflag:s22] =	ssyncset.done $0x0  }
0x5b: {  	s23 =	simm.s32 $0x300;
	[sflag:s22] =	ssyncadd.s32 $0xFFFFF800  }
0x5c: {  	v1 =	vld [tilespmem:s23+$0x0];
	_ =	sdelay $0x1  }
0x5d: {  	v0 =	vlaneseq.u32  }
0x5e: {  	v2 =	vmov s5;
	v0 =	vmul.u32 $0x10, v0  }
0x5f: {  	v2 =	vshll.u32 v2, $0x4  }
0x60: {  	v2 =	vor.u32 v0, v2;
	v3 =	vand.u32 $0xFFFFFFF8, v1  }
0x61: {  	v1 =	vand.u32 $0x7, v1;
	v2 =	vadd.s32 v2, v3  }
0x62: {  	s24 =	simm.s32 $0x310;
	v1 =	vor.u32 v1, v2  }
0x63: {  	v3 =	vld [tilespmem:s24+$0x0]  }
0x64: {  	s26 =	simm.s32 $0x320  }
0x65: {  	s25 =	simm.s32 $0x10;
	s28 =	simm.s32 $0x2480;
	v4 =	vld [tilespmem:s26+$0x0]  }
0x66: {  	v8 =	vld [tilespmem:s28+$0x0];
	v2 =	vmov s25  }
0x67: {  	v2 =	vshll.u32 v2, $0x4;
	v6 =	vld.idx.msk [tilespmem:v1+s6+$0x0], $0xffff  }
0x68: {  	v2 =	vor.u32 v0, v2;
	v5 =	vand.u32 $0xFFFFFFF8, v3;
	v7 =	vld.idx.msk [tilespmem:v1+s7+$0x0], $0xffff  }
0x69: {  	v3 =	vand.u32 $0x7, v3;
	v2 =	vadd.s32 v2, v5;
	v5 =	vld [tilespmem:s28+$0xFFFFFF80]  }
0x6a: {  	s29 =	simm.s32 $0x20;
	v2 =	vor.u32 v3, v2  }
0x6b: {  	v1 =	vmov s29  }
0x6c: {  	s30 =	simm.s32 $0x330;
	v1 =	vshll.u32 v1, $0x4  }
0x6d: {  	s5 =	simm.s32 $0x2490;
	v9 =	vld [tilespmem:s30+$0x0];
	v3 =	vand.u32 $0xFFFFFFF8, v4;
	v11 =	vor.u32 v0, v1;
	v7 =	vsub.f32 v7, v8  }
0x6e: {  	v4 =	vand.u32 $0x7, v4;
	v6 =	vsub.f32 v6, v5;
	v5 =	vadd.s32 v11, v3;
	v3 =	vld [tilespmem:s5+$0xFFFFFF80]  }
0x6f: {  	s31 =	simm.s32 $0x30;
	v1 =	vld.idx.msk [tilespmem:v2+s6+$0x0], $0xffff;
	v5 =	vor.u32 v4, v5  }
0x70: {  	v10 =	vimm.f32 $0.0e+00;
	v8 =	vmov s31;
	v2 =	vld.idx.msk [tilespmem:v2+s7+$0x0], $0xffff;
	v6 =	vand.u32 $0x7FFFFFFF, v6  }
0x71: {  	v4 =	vld [tilespmem:s5+$0x0];
	v6 =	vadd.f32 v6, v10;
	v10 =	vshll.u32 v8, $0x4;
	v8 =	vand.u32 $0x7FFFFFFF, v7;
	v7 =	vmovc v5  }
0x72: {  	s8 =	simm.s32 $0x40;
	s9 =	simm.s32 $0x340  }
.LBB2_1:
0x73: {  	v11 =	vld [tilespmem:s9+$0x0];
	v12 =	vand.u32 $0xFFFFFFF8, v9;
	v10 =	vor.u32 v0, v10;
	v6 =	vadd.f32 v8, v6;
	s10 =	smov.u32 s8;
	p0 =	sne.s32 s8, $0x70  }
.Ltmp0:
0x74: {  	s8 =	sadd.s32 $0x10, s8;
	v8 =	vand.u32 $0x7, v9;
	s5 =	sadd.s32 $0x10, s5;
	v9 =	vadd.s32 v10, v12;
	v10 =	vsub.f32 v1, v3;
	v1 =	vld.idx.msk [tilespmem:v5+s6+$0x0], $0xffff;
	(pc) =	sbr.rel @p0 .LBB2_1-.Ltmp0, $4  }
0x75: {  	v5 =	vor.u32 v8, v9;
	v3 =	vld [tilespmem:s5+$0xFFFFFF80]  }
0x76: {  	v8 =	vand.u32 $0x7FFFFFFF, v10;
	v12 =	vsub.f32 v2, v4;
	v2 =	vld.idx.msk [tilespmem:v7+s7+$0x0], $0xffff;
	v7 =	vmov v5  }
0x77: {  	v10 =	vmov s10;
	v4 =	vld [tilespmem:s5+$0x0];
	v6 =	vadd.f32 v8, v6  }
0x78: {  	s9 =	sadd.s32 $0x10, s9;
	v10 =	vshll.u32 v10, $0x4;
	v8 =	vand.u32 $0x7FFFFFFF, v12;
	v9 =	vmov v11  }
0x79: {  	_ =	sdelay $0x2  }
0x7a: {  	v11 =	vand.u32 $0xFFFFFFF8, v9;
	v0 =	vor.u32 v0, v10  }
0x7b: {  	v9 =	vand.u32 $0x7, v9;
	v5 =	vld.idx.msk [tilespmem:v5+s6+$0x0], $0xffff;
	v0 =	vadd.s32 v0, v11  }
0x7c: {  	s5 =	sadd.s32 $0x10, s5;
	v7 =	vld.idx.msk [tilespmem:v7+s7+$0x0], $0xffff;
	v0 =	vor.u32 v9, v0  }
0x7d: {  	v10 =	vld [tilespmem:s5+$0x0]  }
0x7e: {  	v9 =	vld [tilespmem:s5+$0xFFFFFF80];
	s5 =	sadd.s32 $0x10, s5  }
0x7f: {  	v12 =	vld [tilespmem:s5+$0xFFFFFF80]  }
0x80: {  	v14 =	vld [tilespmem:s5+$0x0]  }
0x81: {  	s16 =	simm.s32 $0x3;
	v11 =	vld.idx.msk [tilespmem:v0+s6+$0x0], $0xffff  }
0x82: {  	v13 =	vld.idx.msk [tilespmem:v0+s7+$0x0], $0xffff;
	_ =	swait.ge [sflag:s16], $0x800  }
0x83: {  	[sflag:s16] =	ssyncset.done $0x0  }
0x84: {  	[sflag:s16] =	ssyncadd.s32 $0xFFFFF800  }
0x85: {  	_ =	swait.ge [sflag:s16], $0x800  }
0x86: {  	[sflag:s16] =	ssyncset.done $0x0  }
0x87: {  	s17 =	simm.s32 $0x380;
	[sflag:s16] =	ssyncadd.s32 $0xFFFFF800  }
0x88: {  	v15 =	vld [tilespmem:s17+$0x0];
	_ =	sdelay $0x1  }
0x89: {  	s18 =	simm.s32 $0x0;
	v0 =	vlaneseq.u32  }
0x8a: {  	v16 =	vmov s18;
	v0 =	vmul.u32 $0x10, v0  }
0x8b: {  	v6 =	vadd.f32 v8, v6;
	v1 =	vsub.f32 v1, v3;
	v3 =	vshll.u32 v16, $0x4  }
0x8c: {  	v2 =	vsub.f32 v2, v4;
	v3 =	vor.u32 v0, v3;
	v4 =	vand.u32 $0xFFFFFFF8, v15  }
0x8d: {  	s19 =	simm.s32 $0x390;
	v1 =	vand.u32 $0x7FFFFFFF, v1;
	v3 =	vadd.s32 v3, v4;
	v4 =	vand.u32 $0x7, v15  }
0x8e: {  	v1 =	vadd.f32 v1, v6;
	v3 =	vor.u32 v4, v3;
	v4 =	vld [tilespmem:s19+$0x0]  }
0x8f: {  	v2 =	vand.u32 $0x7FFFFFFF, v2;
	v5 =	vsub.f32 v5, v9  }
0x90: {  	s20 =	simm.s32 $0x10;
	s21 =	simm.s32 $0x800;
	v1 =	vadd.f32 v2, v1;
	v6 =	vsub.f32 v7, v10  }
0x91: {  	s22 =	simm.s32 $0x3A0;
	s23 =	simm.s32 $0x100;
	s6 =	sand.u32 $0xFFFFF800, s21;
	v2 =	vand.u32 $0x7FFFFFFF, v5;
	v5 =	vmov s20  }
0x92: {  	s24 =	sand.u32 $0x3FFFFF00, s23;
	s25 =	sor.u32 $0x400, s6;
	v6 =	vand.u32 $0x7FFFFFFF, v6;
	v1 =	vadd.f32 v2, v1;
	v2 =	vshll.u32 v5, $0x4;
	v5 =	vld [tilespmem:s22+$0x0]  }
0x93: {  	s8 =	sadd.s32 $0x2400, s24;
	v2 =	vor.u32 v0, v2;
	v7 =	vsub.f32 v11, v12;
	v8 =	vand.u32 $0xFFFFFFF8, v4;
	v9 =	vld.idx.msk [tilespmem:v3+s25+$0x0], $0xffff  }
0x94: {  	v1 =	vadd.f32 v6, v1;
	v4 =	vand.u32 $0x7, v4;
	v2 =	vadd.s32 v2, v8;
	v8 =	vld [tilespmem:s8+$0x0]  }
0x95: {  	v6 =	vsub.f32 v13, v14;
	v2 =	vor.u32 v4, v2;
	v4 =	vld.idx.msk [tilespmem:v3+s6+$0x1400], $0xffff;
	v3 =	vand.u32 $0x7FFFFFFF, v7  }
0x96: {  	s26 =	simm.s32 $0x20;
	s5 =	sadd.s32 $0x2480, s24;
	v1 =	vadd.f32 v3, v1  }
0x97: {  	v10 =	vld [tilespmem:s5+$0x0];
	v3 =	vand.u32 $0x7FFFFFFF, v6;
	v6 =	vmov s26  }
0x98: {  	s28 =	simm.s32 $0x900;
	v11 =	vadd.f32 v3, v1;
	v1 =	vshll.u32 v6, $0x4  }
0x99: {  	s29 =	simm.s32 $0x3B0;
	s30 =	simm.s32 $0x120;
	s10 =	sand.u32 $0xFFFFF800, s28;
	v3 =	vand.u32 $0xFFFFFFF8, v5;
	v6 =	vor.u32 v0, v1;
	v8 =	vsub.f32 v9, v8  }
0x9a: {  	s11 =	sand.u32 $0x3FFFFF00, s30;
	v7 =	vld [tilespmem:s29+$0x0];
	s6 =	sor.u32 $0x400, s10;
	v5 =	vand.u32 $0x7, v5;
	v6 =	vadd.s32 v6, v3  }
0x9b: {  	s9 =	simm.s32 $0x30;
	s7 =	sadd.s32 $0x2410, s11;
	v1 =	vld.idx.msk [tilespmem:v2+s6+$0x0], $0xffff;
	v5 =	vor.u32 v5, v6;
	v6 =	vand.u32 $0x7FFFFFFF, v8  }
0x9c: {  	s31 =	simm.s32 $0xA00;
	s12 =	simm.s32 $0x140;
	s11 =	sadd.s32 $0x2490, s11;
	v3 =	vld [tilespmem:s7+$0x0];
	v9 =	vsub.f32 v4, v10  }
0x9d: {  	s5 =	simm.s32 $0xB;
	s8 =	simm.s32 $0xC;
	s6 =	simm.s32 $0x2410;
	v2 =	vld.idx.msk [tilespmem:v2+s10+$0x1400], $0xffff;
	v10 =	vmov s9  }
0x9e: {  	s7 =	simm.s32 $0x2490;
	v4 =	vld [tilespmem:s11+$0x0];
	s11 =	simm.s32 $0x3C0;
	s10 =	sand.u32 $0xFFFFF800, s31;
	v10 =	vshll.u32 v10, $0x4;
	v8 =	vadd.f32 v6, v11;
	v9 =	vand.u32 $0x7FFFFFFF, v9;
	v6 =	vmovc v5  }
.LBB2_3:
0x9f: {  	s12 =	sand.u32 $0x3FFFFF00, s12;
	s13 =	sor.u32 $0x400, s10;
	s6 =	sadd.s32 $0x10, s6  }
0xa0: {  	v11 =	vld [tilespmem:s11+$0x0];
	v12 =	vand.u32 $0xFFFFFFF8, v7;
	v10 =	vor.u32 v0, v10;
	v8 =	vadd.f32 v9, v8;
	s14 =	smov.u32 s5;
	s5 =	smov.u32 s8;
	p0 =	sne.s32 s8, $0xF  }
.Ltmp1:
0xa1: {  	s8 =	sadd.s32 $0x1, s8;
	v7 =	vand.u32 $0x7, v7;
	v9 =	vadd.s32 v10, v12;
	s15 =	sadd.s32 s12, s6;
	v10 =	vsub.f32 v1, v3;
	v1 =	vld.idx.msk [tilespmem:v5+s13+$0x0], $0xffff;
	(pc) =	sbr.rel @p0 .LBB2_3-.Ltmp1, $4  }
0xa2: {  	s7 =	sadd.s32 $0x10, s7;
	v5 =	vor.u32 v7, v9;
	v3 =	vld [tilespmem:s15+$0x0]  }
0xa3: {  	s9 =	sadd.s32 $0x10, s9;
	s12 =	sadd.s32 s12, s7;
	v12 =	vand.u32 $0x7FFFFFFF, v10;
	v9 =	vsub.f32 v2, v4;
	v2 =	vld.idx.msk [tilespmem:v6+s10+$0x1400], $0xffff;
	v6 =	vmov v5  }
0xa4: {  	v10 =	vmov s9;
	s10 =	sshll.u32 s14, $0x8;
	v4 =	vld [tilespmem:s12+$0x0];
	v8 =	vadd.f32 v12, v8  }
0xa5: {  	s11 =	sadd.s32 $0x10, s11;
	v10 =	vshll.u32 v10, $0x4;
	s12 =	sshll.u32 s14, $0x5;
	s10 =	sand.u32 $0xFFFFF800, s10;
	v9 =	vand.u32 $0x7FFFFFFF, v9;
	v7 =	vmov v11  }
0xa6: {  	_ =	sdelay $0x1  }
0xa7: {  	v11 =	vand.u32 $0xFFFFFFF8, v7;
	v0 =	vor.u32 v0, v10  }
0xa8: {  	v55 =	vand.u32 $0x7, v7;
	s8 =	sand.u32 $0x3FFFFF00, s12;
	s9 =	sor.u32 $0x400, s10;
	s6 =	sadd.s32 $0x10, s6;
	v0 =	vadd.s32 v0, v11  }
0xa9: {  	s11 =	sadd.s32 s8, s6;
	v5 =	vld.idx.msk [tilespmem:v5+s9+$0x0], $0xffff;
	v0 =	vor.u32 v55, v0  }
0xaa: {  	s7 =	sadd.s32 $0x10, s7;
	s25 =	sshll.u32 s5, $0x8;
	s26 =	sshll.u32 s5, $0x5;
	v56 =	vld [tilespmem:s11+$0x0]  }
0xab: {  	v57 =	vld.idx.msk [tilespmem:v6+s10+$0x1400], $0xffff;
	v1 =	vsub.f32 v1, v3;
	s8 =	sadd.s32 s8, s7;
	s5 =	sand.u32 $0x3FFFFF00, s26;
	s6 =	sadd.s32 $0x10, s6  }
0xac: {  	v58 =	vadd.f32 v9, v8;
	s9 =	sand.u32 $0xFFFFF800, s25;
	v59 =	vld [tilespmem:s8+$0x0];
	s6 =	sadd.s32 s5, s6  }
0xad: {  	s29 =	sadd.s32 $0x10, s7;
	s28 =	sor.u32 $0x400, s9;
	v1 =	vand.u32 $0x7FFFFFFF, v1;
	v2 =	vsub.f32 v2, v4;
	v61 =	vld [tilespmem:s6+$0x0]  }
0xae: {  	s5 =	sadd.s32 s5, s29;
	v1 =	vadd.f32 v1, v58;
	v60 =	vld.idx.msk [tilespmem:v0+s28+$0x0], $0xffff  }
0xaf: {  	v62 =	vld [tilespmem:s5+$0x0];
	v2 =	vand.u32 $0x7FFFFFFF, v2;
	v5 =	vsub.f32 v5, v56  }
0xb0: {  	v1 =	vadd.f32 v2, v1;
	v0 =	vld.idx.msk [tilespmem:v0+s9+$0x1400], $0xffff  }
0xb1: {  	v3 =	vsub.f32 v57, v59;
	v5 =	vand.u32 $0x7FFFFFFF, v5  }
0xb2: {  	v1 =	vadd.f32 v5, v1  }
0xb3: {  	v3 =	vand.u32 $0x7FFFFFFF, v3;
	v4 =	vsub.f32 v60, v61  }
0xb4: {  	v1 =	vadd.f32 v3, v1  }
0xb5: {  	v0 =	vsub.f32 v0, v62;
	v63 =	vand.u32 $0x7FFFFFFF, v4  }
0xb6: {  	v1 =	vadd.f32 v63, v1  }
0xb7: {  	v0 =	vand.u32 $0x7FFFFFFF, v0  }
0xb8: {  	v0 =	vadd.f32 v0, v1  }
0xb9: {  	s4 =	sshrl.u32 s4, $0x2  }
0xba: {  	s30 =	simm.s32 $0x2600;
	s31 =	simm.s32 $0x5;
	s4 =	sadd.s32 s4, s2;
	[tilespmem:$0x2600] =	vst v0  }
0xbb: {  	[spmem:s4] =	stream.linear.scatter [tilespmem:s30], [sflag:$0x5], $0x10, $0x38;
	[tilespmem:$0x2730] =	vst v63  }
0xbc: {  	_ =	swait.ge [sflag:s31], $0x10  }
0xbd: {  	[sflag:s31] =	ssyncset.done $0x0  }
0xbe: {  	[sflag:s31] =	ssyncadd.s32 $0xFFFFFFF0  }
0xbf: {  	p0 =	sne.s32 s3, $0x0;
	[bflag:$0x0] =	sbarrier.arrive $0xFFFF  }
0xc0: {  	_ =	sfence.sel @p0 $0x180000  }
0xc1: {  	[bflag:$0x0] =	sbarrier.arrive @p0 $0xFFFF  }
0xc2: {  	_ =	strace @p0 $0x90000047  }
0xc3: {  	s3 =	simm.s32 @!p0 $0x2610;
	[bflag:$0x2] =	sbarrier.arrive @p0 $0xFFFF  }
0xc4: {  	[tilespmem:s3], [sflag:$0x5] =	stream.linear.gather @!p0 [spmem:s2], $0x100, $0x38;
	[tilespmem:$0x2730] =	vst v63  }
0xc5: {  	s2 =	simm.s32 @!p0 $0x5  }
0xc6: {  	_ =	swait.ge @!p0 [sflag:s2], $0x100  }
0xc7: {  	[sflag:s2] =	ssyncset.done @!p0 $0x0  }
0xc8: {  	[sflag:s2] =	ssyncadd.s32 @!p0 $0xFFFFFF00  }
0xc9: {  	v0 =	vld @!p0 [tilespmem:$0x2610];
	_ =	sdelay $0x1  }
0xca: {  	v1 =	vld @!p0 [tilespmem:$0x2620];
	_ =	sdelay $0x1  }
0xcb: {  	v2 =	vld @!p0 [tilespmem:$0x2630]  }
0xcc: {  	v0 =	vadd.f32 @!p0 $0.0e+00, v0  }
0xcd: {  	v3 =	vld @!p0 [tilespmem:$0x2640]  }
0xce: {  	v0 =	vadd.f32 @!p0 v1, v0  }
0xcf: {  	v1 =	vld @!p0 [tilespmem:$0x2650]  }
0xd0: {  	v0 =	vadd.f32 @!p0 v2, v0  }
0xd1: {  	v2 =	vld @!p0 [tilespmem:$0x2660]  }
0xd2: {  	v0 =	vadd.f32 @!p0 v3, v0  }
0xd3: {  	v3 =	vld @!p0 [tilespmem:$0x2670]  }
0xd4: {  	v0 =	vadd.f32 @!p0 v1, v0  }
0xd5: {  	v1 =	vld @!p0 [tilespmem:$0x2680]  }
0xd6: {  	v0 =	vadd.f32 @!p0 v2, v0  }
0xd7: {  	v2 =	vld @!p0 [tilespmem:$0x2690]  }
0xd8: {  	v0 =	vadd.f32 @!p0 v3, v0  }
0xd9: {  	v3 =	vld @!p0 [tilespmem:$0x26A0]  }
0xda: {  	v0 =	vadd.f32 @!p0 v1, v0  }
0xdb: {  	v1 =	vld @!p0 [tilespmem:$0x26B0]  }
0xdc: {  	v0 =	vadd.f32 @!p0 v2, v0  }
0xdd: {  	v2 =	vld @!p0 [tilespmem:$0x26C0]  }
0xde: {  	v0 =	vadd.f32 @!p0 v3, v0  }
0xdf: {  	v3 =	vld @!p0 [tilespmem:$0x26D0]  }
0xe0: {  	v0 =	vadd.f32 @!p0 v1, v0  }
0xe1: {  	v1 =	vld @!p0 [tilespmem:$0x26E0]  }
0xe2: {  	v0 =	vadd.f32 @!p0 v2, v0  }
0xe3: {  	v2 =	vld @!p0 [tilespmem:$0x26F0]  }
0xe4: {  	v0 =	vadd.f32 @!p0 v3, v0  }
0xe5: {  	v3 =	vld @!p0 [tilespmem:$0x2700]  }
0xe6: {  	v0 =	vadd.f32 @!p0 v1, v0;
	_ =	sdelay $0x1  }
0xe7: {  	v0 =	vadd.f32 @!p0 v2, v0;
	_ =	sdelay $0x1  }
0xe8: {  	v0 =	vadd.f32 @!p0 v3, v0;
	_ =	sdelay $0x1  }
0xe9: {  	(xrf2) =	vadd.scan.msk.f32 @!p0 $0xffff, v0;
	_ =	sdelay $0x9  }
0xea: {  	v0, _, _ =	vpop @!p0 (xrf2)  }
0xeb: {  	(v2sf) =	vpush @!p0 v0, $0xF;
	_ =	sdelay $0xe  }
0xec: {  	s3 =	spop @!p0 (v2sf)  }
0xed: {  	s3 =	smul.f32 @!p0 $2.441406250e-04, s3;
	_ =	sdelay $0x1  }
0xee: {  	v0 =	vmov @!p0 s3  }
0xef: {  	s4 =	simm.s32 @!p0 $0x2710;
	s3 =	simm.s32 @!p0 $0x0;
	[tilespmem:$0x2710] =	vst @!p0 v0  }
0xf0: {  	[hbm4b:s1+s3] =	stream.linear.scatter @!p0 [tilespmem:s4], [sflag:$0x5], $0x1, $0x38;
	[tilespmem:$0x2730] =	vst v63  }
0xf1: {  	_ =	swait.ge @!p0 [sflag:s2], $0x1  }
0xf2: {  	[sflag:s2] =	ssyncset.done @!p0 $0x0  }
0xf3: {  	[sflag:s2] =	ssyncadd.s32 @!p0 $0xFFFFFFFF  }
0xf4: {  	_ =	sfence.sel @!p0 $0x180000  }
0xf5: {  	[bflag:$0x0] =	sbarrier.arrive @!p0 $0xFFFF  }
0xf6: {  	_ =	strace @!p0 $0x90000047  }
0xf7: {  	s0 =	sadd.s32 @!p0 $0x100000, s0;
	[bflag:$0x2] =	sbarrier.arrive @!p0 $0xFFFF  }
0xf8: {  	[sflag:s0] =	ssyncadd.tile.s32 @!p0 $0x1;
	_ =	shalt  }
.Lfunc_end2:
_tile_overlayer_lowered:
.L_overlay_start_2:
0xf9: {  	(tag) =	ssettag $0x2  }
0xfa: {  	s0 =	rddreg [dreg:$0x0];
	s2 =	stileid.u32  }
0xfb: {  	s1 =	rddreg [dreg:$0x1];
	p0 =	sne.s32 s2, $0x0  }
0xfc: {  	s3 =	rddreg [dreg:$0x2];
	[bflag:$0x3] =	sbarrier.arrive $0xFFFF;
	s2 =	simm.s32 @!p0 $0x1C05  }
0xfd: {  	[timem:s3], [sflag:s2] =	dma.local @!p0 [hbm:s0], s1  }
0xfe: {  	s0 =	simm.s32 @!p0 $0x5  }
0xff: {  	_ =	swait.ge @!p0 [sflag:s0], s1  }
0x100: {  	s1 =	ssub.s32 @!p0 $0x0, s1;
	[sflag:s0] =	ssyncset.done @!p0 $0x0  }
0x101: {  	[sflag:s0] =	ssyncadd.s32 @!p0 s1  }
0x102: {  	[bflag:$0x3] =	sbarrier.arrive $0xFFFF  }
0x103: {  	_ =	shalt  }

</sc_bundles>
